<compile_context>
chip_gen: v7x
topology: tpu7x:2x2x1
jax: 0.10.2.dev20260603
libtpu: 0.0.44.dev20260713+nightly
codegen_flags: <defaults>
</compile_context>

<pallas_src>
import functools

import jax
import jax.numpy as jnp
from jax import lax
from jax.experimental import pallas as pl
from jax.experimental.pallas import tpu as pltpu
from jax.experimental.pallas import tpu_sc as plsc

_SC_ROWS = 3072


def _make_sc_add(R_sc, D, row0):
    info = plsc.get_sparse_core_info()
    NC, NS = info.num_cores, info.num_subcores
    NW = NC * NS
    CH = 8
    rows_per_w = R_sc // NW
    n_chunks = rows_per_w // CH
    n_groups = n_chunks // 2
    mesh = plsc.VectorSubcoreMesh(core_axis_name="c", subcore_axis_name="s")

    @functools.partial(
        pl.kernel,
        out_type=jax.ShapeDtypeStruct((R_sc, D), jnp.float32),
        mesh=mesh,
        scratch_types=[
            pltpu.VMEM((CH, D), jnp.float32),
            pltpu.VMEM((CH, D), jnp.float32),
            pltpu.VMEM((CH, D), jnp.float32),
            pltpu.VMEM((CH, D), jnp.float32),
            pltpu.SemaphoreType.DMA,
            pltpu.SemaphoreType.DMA,
            pltpu.SemaphoreType.DMA,
            pltpu.SemaphoreType.DMA,
            pltpu.SemaphoreType.DMA,
            pltpu.SemaphoreType.DMA,
        ],
    )
    def sc_add(x_hbm, e_hbm, out_hbm, bx0, be0, bx1, be1, lx0, le0, lx1,
               le1, so0, so1):
        bufx = (bx0, bx1)
        bufe = (be0, be1)
        slx = (lx0, lx1)
        sle = (le0, le1)
        sso = (so0, so1)
        wid = lax.axis_index("s") * NC + lax.axis_index("c")
        w_base = wid * rows_per_w

        def in_rows(k):
            return pl.ds(row0 + w_base + k * CH, CH)

        def out_rows(k):
            return pl.ds(w_base + k * CH, CH)

        for b in range(2):
            pltpu.async_copy(x_hbm.at[in_rows(b)], bufx[b], slx[b])
            pltpu.async_copy(e_hbm.at[in_rows(b)], bufe[b], sle[b])

        def group_body(g, carry):
            for b in range(2):
                k = g * 2 + b
                pltpu.make_async_copy(
                    x_hbm.at[in_rows(k)], bufx[b], slx[b]
                ).wait()
                pltpu.make_async_copy(
                    e_hbm.at[in_rows(k)], bufe[b], sle[b]
                ).wait()

                for r in range(CH):

                    @plsc.parallel_loop(0, D, 16, unroll=8)
                    def _body(i):
                        plsc.addupdate(
                            bufx[b].at[r, pl.ds(i, 16)],
                            bufe[b][r, pl.ds(i, 16)],
                        )

                pltpu.async_copy(bufx[b], out_hbm.at[out_rows(k)], sso[b])

                @pl.when(k + 2 < n_chunks)
                def _next():
                    pltpu.make_async_copy(
                        bufx[b], out_hbm.at[out_rows(k)], sso[b]
                    ).wait()
                    pltpu.async_copy(x_hbm.at[in_rows(k + 2)], bufx[b], slx[b])
                    pltpu.async_copy(e_hbm.at[in_rows(k + 2)], bufe[b], sle[b])

            return carry

        lax.fori_loop(0, n_groups, group_body, 0)

        for b in range(2):
            pltpu.make_async_copy(
                bufx[b], out_hbm.at[out_rows(n_chunks - 2 + b)], sso[b]
            ).wait()

    return sc_add


def _tc_add_body(x_ref, e_ref, o_ref):
    o_ref[...] = x_ref[...] + e_ref[...]


def _tc_merge_body(_full_ref, sc_ref, o_ref):
    o_ref[...] = sc_ref[...]


def kernel(x, node_pos_emb):
    B, L, D = x.shape
    R = B * L
    x2 = x.reshape(R, D)
    e2 = node_pos_emb.reshape(R, D)
    S = R - _SC_ROWS

    BLK = 256
    tc_out = pl.pallas_call(
        _tc_add_body,
        grid=(S // BLK,),
        in_specs=[
            pl.BlockSpec((BLK, D), lambda i: (i, 0)),
            pl.BlockSpec((BLK, D), lambda i: (i, 0)),
        ],
        out_specs=pl.BlockSpec((BLK, D), lambda i: (i, 0)),
        out_shape=jax.ShapeDtypeStruct((R, D), x.dtype),
    )(x2, e2)

    sc_out = _make_sc_add(_SC_ROWS, D, S)(x2, e2)

    off = S // BLK
    out = pl.pallas_call(
        _tc_merge_body,
        grid=(_SC_ROWS // BLK,),
        in_specs=[
            pl.BlockSpec(memory_space=pl.ANY),
            pl.BlockSpec((BLK, D), lambda i: (i, 0)),
        ],
        out_specs=pl.BlockSpec((BLK, D), lambda i: (i + off, 0)),
        out_shape=jax.ShapeDtypeStruct((R, D), x.dtype),
        input_output_aliases={0: 0},
    )(tc_out, sc_out)

    return out.reshape(B, L, D)

# --- scband reference (transcript-rebuilt; emitter-appended) ---
"""Pipeline reference for scband-learned-tree-positional-encoding-50302656971227 (READ-ONLY COPY).

The authoritative reference and input builder live on the scoring server;
editing this copy changes nothing except your own understanding.
"""

import jax, jax.numpy as jnp
import numpy as np

B, L, D = 4, 2048, 2048

def setup_inputs(seed: int = 0) -> dict:
    key = jax.random.key(seed)
    k1, k2 = jax.random.split(key)
    x = jax.random.normal(k1, (B, L, D), dtype=jnp.float32)
    node_pos_emb = jax.random.normal(k2, (B, L, D), dtype=jnp.float32)
    return {"x": x, "node_pos_emb": node_pos_emb}

def reference(x, node_pos_emb):
    # forward: x = x + tree.node_pos_emb[:, :max_len, :]; dropout(p=0.0) is identity
    max_len = x.shape[1]
    out = x + node_pos_emb[:, :max_len, :]
    return out

if __name__ == "__main__":
    import jax
    _d = setup_inputs()
    print(jax.jit(kernel)(*tuple(_d.values())))

</pallas_src>

<mosaic_0001>
#map = affine_map<(d0, d1) -> (0, 0)>
module attributes {stable_mosaic.version = 14 : i64} {
  func.func @sc_add(%arg0: i32, %arg1: i32, %arg2: memref<8192x2048xf32, #tpu.memory_space<hbm>>, %arg3: memref<8192x2048xf32, #tpu.memory_space<hbm>>, %arg4: memref<3072x2048xf32, #tpu.memory_space<hbm>>, %arg5: memref<8x2048xf32, #tpu.memory_space<vmem>>, %arg6: memref<8x2048xf32, #tpu.memory_space<vmem>>, %arg7: memref<8x2048xf32, #tpu.memory_space<vmem>>, %arg8: memref<8x2048xf32, #tpu.memory_space<vmem>>, %arg9: memref<!tpu.dma_semaphore, #tpu.memory_space<semaphore_mem>>, %arg10: memref<!tpu.dma_semaphore, #tpu.memory_space<semaphore_mem>>, %arg11: memref<!tpu.dma_semaphore, #tpu.memory_space<semaphore_mem>>, %arg12: memref<!tpu.dma_semaphore, #tpu.memory_space<semaphore_mem>>, %arg13: memref<!tpu.dma_semaphore, #tpu.memory_space<semaphore_mem>>, %arg14: memref<!tpu.dma_semaphore, #tpu.memory_space<semaphore_mem>>) attributes {dimension_semantics = [#tpu.dimension_semantics<core_parallel>, #tpu.dimension_semantics<subcore_parallel>], iteration_bounds = array<i64: 2, 16>, scalar_prefetch = 0 : i64, scratch_operands = 10 : i64, tpu.core_type = #tpu.core_type<sc_vector_subcore>, window_params = [{transform_indices = #map}, {transform_indices = #map}, {transform_indices = #map}]} {
    %mul3A = arith.constant 2 : i32
    %mul3A_0 = arith.muli %arg1, %mul3A : i32
    %add3A = arith.addi %mul3A_0, %arg0 : i32
    %mul3A_1 = arith.constant 96 : i32
    %mul3A_2 = arith.muli %add3A, %mul3A_1 : i32
    %add3A_3 = arith.constant 5120 : i32
    %add3A_4 = arith.addi %add3A_3, %mul3A_2 : i32
    %add3A_5 = arith.constant 0 : i32
    %add3A_6 = arith.addi %add3A_4, %add3A_5 : i32
    %dma_start3A = arith.constant 0 : i32
    %dma_start3A_7 = tpu.memref_slice %arg2[%add3A_6, %dma_start3A] : memref<8192x2048xf32, #tpu.memory_space<hbm>> -> memref<8x2048xf32, #tpu.memory_space<hbm>>
    %dma_start3A_8 = arith.constant 0 : i32
    %dma_start3A_9 = tpu.memref_slice %arg2[%add3A_6, %dma_start3A_8] : memref<8192x2048xf32, #tpu.memory_space<hbm>> -> memref<8x2048xf32, #tpu.memory_space<hbm>>
    tpu.enqueue_dma source(%dma_start3A_9 : memref<8x2048xf32, #tpu.memory_space<hbm>>) target(%arg5 : memref<8x2048xf32, #tpu.memory_space<vmem>>) target_semaphore(%arg9 : memref<!tpu.dma_semaphore, #tpu.memory_space<semaphore_mem>>)
    %add3A_10 = arith.constant 5120 : i32
    %add3A_11 = arith.addi %add3A_10, %mul3A_2 : i32
    %add3A_12 = arith.constant 0 : i32
    %add3A_13 = arith.addi %add3A_11, %add3A_12 : i32
    %dma_start3A_14 = arith.constant 0 : i32
    %dma_start3A_15 = tpu.memref_slice %arg3[%add3A_13, %dma_start3A_14] : memref<8192x2048xf32, #tpu.memory_space<hbm>> -> memref<8x2048xf32, #tpu.memory_space<hbm>>
    %dma_start3A_16 = arith.constant 0 : i32
    %dma_start3A_17 = tpu.memref_slice %arg3[%add3A_13, %dma_start3A_16] : memref<8192x2048xf32, #tpu.memory_space<hbm>> -> memref<8x2048xf32, #tpu.memory_space<hbm>>
    tpu.enqueue_dma source(%dma_start3A_17 : memref<8x2048xf32, #tpu.memory_space<hbm>>) target(%arg6 : memref<8x2048xf32, #tpu.memory_space<vmem>>) target_semaphore(%arg10 : memref<!tpu.dma_semaphore, #tpu.memory_space<semaphore_mem>>)
    %add3A_18 = arith.constant 5120 : i32
    %add3A_19 = arith.addi %add3A_18, %mul3A_2 : i32
    %add3A_20 = arith.constant 8 : i32
    %add3A_21 = arith.addi %add3A_19, %add3A_20 : i32
    %dma_start3A_22 = arith.constant 0 : i32
    %dma_start3A_23 = tpu.memref_slice %arg2[%add3A_21, %dma_start3A_22] : memref<8192x2048xf32, #tpu.memory_space<hbm>> -> memref<8x2048xf32, #tpu.memory_space<hbm>>
    %dma_start3A_24 = arith.constant 0 : i32
    %dma_start3A_25 = tpu.memref_slice %arg2[%add3A_21, %dma_start3A_24] : memref<8192x2048xf32, #tpu.memory_space<hbm>> -> memref<8x2048xf32, #tpu.memory_space<hbm>>
    tpu.enqueue_dma source(%dma_start3A_25 : memref<8x2048xf32, #tpu.memory_space<hbm>>) target(%arg7 : memref<8x2048xf32, #tpu.memory_space<vmem>>) target_semaphore(%arg11 : memref<!tpu.dma_semaphore, #tpu.memory_space<semaphore_mem>>)
    %add3A_26 = arith.constant 5120 : i32
    %add3A_27 = arith.addi %add3A_26, %mul3A_2 : i32
    %add3A_28 = arith.constant 8 : i32
    %add3A_29 = arith.addi %add3A_27, %add3A_28 : i32
    %dma_start3A_30 = arith.constant 0 : i32
    %dma_start3A_31 = tpu.memref_slice %arg3[%add3A_29, %dma_start3A_30] : memref<8192x2048xf32, #tpu.memory_space<hbm>> -> memref<8x2048xf32, #tpu.memory_space<hbm>>
    %dma_start3A_32 = arith.constant 0 : i32
    %dma_start3A_33 = tpu.memref_slice %arg3[%add3A_29, %dma_start3A_32] : memref<8192x2048xf32, #tpu.memory_space<hbm>> -> memref<8x2048xf32, #tpu.memory_space<hbm>>
    tpu.enqueue_dma source(%dma_start3A_33 : memref<8x2048xf32, #tpu.memory_space<hbm>>) target(%arg8 : memref<8x2048xf32, #tpu.memory_space<vmem>>) target_semaphore(%arg12 : memref<!tpu.dma_semaphore, #tpu.memory_space<semaphore_mem>>)
    %scan3A = arith.constant 0 : i32
    %scan3A_34 = arith.constant 0 : i32
    %scan3A_35 = arith.constant 6 : i32
    %scan3A_36 = arith.addi %scan3A_34, %scan3A_35 : i32
    %scan3A_37 = arith.constant 1 : i32
    scf.for %scan3A_50 = %scan3A_34 to %scan3A_36 step %scan3A_37  : i32 {
      %mul3A_51 = arith.constant 2 : i32
      %mul3A_52 = arith.muli %scan3A_50, %mul3A_51 : i32
      %add3A_53 = arith.constant 0 : i32
      %add3A_54 = arith.addi %mul3A_52, %add3A_53 : i32
      %add3A_55 = arith.constant 5120 : i32
      %add3A_56 = arith.addi %add3A_55, %mul3A_2 : i32
      %mul3A_57 = arith.constant 8 : i32
      %mul3A_58 = arith.muli %add3A_54, %mul3A_57 : i32
      %add3A_59 = arith.addi %add3A_56, %mul3A_58 : i32
      %dma_wait3A_60 = arith.constant 0 : i32
      %dma_wait3A_61 = tpu.memref_slice %arg2[%add3A_59, %dma_wait3A_60] : memref<8192x2048xf32, #tpu.memory_space<hbm>> -> memref<8x2048xf32, #tpu.memory_space<hbm>>
      %dma_wait3A_62 = arith.constant 0 : i32
      %dma_wait3A_63 = tpu.memref_slice %arg2[%add3A_59, %dma_wait3A_62] : memref<8192x2048xf32, #tpu.memory_space<hbm>> -> memref<8x2048xf32, #tpu.memory_space<hbm>>
      tpu.wait_dma2 semaphore(%arg9 : memref<!tpu.dma_semaphore, #tpu.memory_space<semaphore_mem>>) src(%dma_wait3A_63 : memref<8x2048xf32, #tpu.memory_space<hbm>>) dst(%arg5 : memref<8x2048xf32, #tpu.memory_space<vmem>>)
      %add3A_64 = arith.constant 5120 : i32
      %add3A_65 = arith.addi %add3A_64, %mul3A_2 : i32
      %mul3A_66 = arith.constant 8 : i32
      %mul3A_67 = arith.muli %add3A_54, %mul3A_66 : i32
      %add3A_68 = arith.addi %add3A_65, %mul3A_67 : i32
      %dma_wait3A_69 = arith.constant 0 : i32
      %dma_wait3A_70 = tpu.memref_slice %arg3[%add3A_68, %dma_wait3A_69] : memref<8192x2048xf32, #tpu.memory_space<hbm>> -> memref<8x2048xf32, #tpu.memory_space<hbm>>
      %dma_wait3A_71 = arith.constant 0 : i32
      %dma_wait3A_72 = tpu.memref_slice %arg3[%add3A_68, %dma_wait3A_71] : memref<8192x2048xf32, #tpu.memory_space<hbm>> -> memref<8x2048xf32, #tpu.memory_space<hbm>>
      tpu.wait_dma2 semaphore(%arg10 : memref<!tpu.dma_semaphore, #tpu.memory_space<semaphore_mem>>) src(%dma_wait3A_72 : memref<8x2048xf32, #tpu.memory_space<hbm>>) dst(%arg6 : memref<8x2048xf32, #tpu.memory_space<vmem>>)
      %parallel_loop3A = arith.constant 0 : i32
      %parallel_loop3A_73 = arith.constant 2048 : i32
      %parallel_loop3A_74 = arith.constant 16 : i32
      scf.for %parallel_loop3A_167 = %parallel_loop3A to %parallel_loop3A_73 step %parallel_loop3A_74  : i32 {
        %parallel_loop3A_168 = arith.constant 0 : i32
        %parallel_loop3A_169 = arith.index_cast %parallel_loop3A_168 : i32 to index
        %parallel_loop3A_170 = arith.index_cast %parallel_loop3A_167 : i32 to index
        %parallel_loop3A_171 = tpu.vector_load %arg6[%parallel_loop3A_169, %parallel_loop3A_170] {strides = array<i32>} : memref<8x2048xf32, #tpu.memory_space<vmem>>, vector<1x16xf32>,
        %parallel_loop3A_172 = vector.shape_cast %parallel_loop3A_171 : vector<1x16xf32> to vector<16xf32>
        %parallel_loop3A_173 = arith.constant 0 : i32
        %parallel_loop3A_174 = arith.index_cast %parallel_loop3A_173 : i32 to index
        %parallel_loop3A_175 = arith.index_cast %parallel_loop3A_167 : i32 to index
        %parallel_loop3A_176 = tpu.vector_load %arg5[%parallel_loop3A_174, %parallel_loop3A_175] {strides = array<i32>} : memref<8x2048xf32, #tpu.memory_space<vmem>>, vector<1x16xf32>,
        %parallel_loop3A_177 = vector.shape_cast %parallel_loop3A_176 : vector<1x16xf32> to vector<16xf32>
        %parallel_loop3A_178 = vector.shape_cast %parallel_loop3A_172 : vector<16xf32> to vector<1x16xf32>
        tpu.vector_store %arg5[%parallel_loop3A_174, %parallel_loop3A_175], %parallel_loop3A_178 {add = true, strides = array<i32>} : memref<8x2048xf32, #tpu.memory_space<vmem>>, vector<1x16xf32>,
      } {sc.loop_unroll_factor = 8 : i64, sc.parallel_access}
      %parallel_loop3A_75 = arith.constant 0 : i32
      %parallel_loop3A_76 = arith.constant 2048 : i32
      %parallel_loop3A_77 = arith.constant 16 : i32
      scf.for %parallel_loop3A_167 = %parallel_loop3A_75 to %parallel_loop3A_76 step %parallel_loop3A_77  : i32 {
        %parallel_loop3A_168 = arith.constant 1 : i32
        %parallel_loop3A_169 = arith.index_cast %parallel_loop3A_168 : i32 to index
        %parallel_loop3A_170 = arith.index_cast %parallel_loop3A_167 : i32 to index
        %parallel_loop3A_171 = tpu.vector_load %arg6[%parallel_loop3A_169, %parallel_loop3A_170] {strides = array<i32>} : memref<8x2048xf32, #tpu.memory_space<vmem>>, vector<1x16xf32>,
        %parallel_loop3A_172 = vector.shape_cast %parallel_loop3A_171 : vector<1x16xf32> to vector<16xf32>
        %parallel_loop3A_173 = arith.constant 1 : i32
        %parallel_loop3A_174 = arith.index_cast %parallel_loop3A_173 : i32 to index
        %parallel_loop3A_175 = arith.index_cast %parallel_loop3A_167 : i32 to index
        %parallel_loop3A_176 = tpu.vector_load %arg5[%parallel_loop3A_174, %parallel_loop3A_175] {strides = array<i32>} : memref<8x2048xf32, #tpu.memory_space<vmem>>, vector<1x16xf32>,
        %parallel_loop3A_177 = vector.shape_cast %parallel_loop3A_176 : vector<1x16xf32> to vector<16xf32>
        %parallel_loop3A_178 = vector.shape_cast %parallel_loop3A_172 : vector<16xf32> to vector<1x16xf32>
        tpu.vector_store %arg5[%parallel_loop3A_174, %parallel_loop3A_175], %parallel_loop3A_178 {add = true, strides = array<i32>} : memref<8x2048xf32, #tpu.memory_space<vmem>>, vector<1x16xf32>,
      } {sc.loop_unroll_factor = 8 : i64, sc.parallel_access}
      %parallel_loop3A_78 = arith.constant 0 : i32
      %parallel_loop3A_79 = arith.constant 2048 : i32
      %parallel_loop3A_80 = arith.constant 16 : i32
      scf.for %parallel_loop3A_167 = %parallel_loop3A_78 to %parallel_loop3A_79 step %parallel_loop3A_80  : i32 {
        %parallel_loop3A_168 = arith.constant 2 : i32
        %parallel_loop3A_169 = arith.index_cast %parallel_loop3A_168 : i32 to index
        %parallel_loop3A_170 = arith.index_cast %parallel_loop3A_167 : i32 to index
        %parallel_loop3A_171 = tpu.vector_load %arg6[%parallel_loop3A_169, %parallel_loop3A_170] {strides = array<i32>} : memref<8x2048xf32, #tpu.memory_space<vmem>>, vector<1x16xf32>,
        %parallel_loop3A_172 = vector.shape_cast %parallel_loop3A_171 : vector<1x16xf32> to vector<16xf32>
        %parallel_loop3A_173 = arith.constant 2 : i32
        %parallel_loop3A_174 = arith.index_cast %parallel_loop3A_173 : i32 to index
        %parallel_loop3A_175 = arith.index_cast %parallel_loop3A_167 : i32 to index
        %parallel_loop3A_176 = tpu.vector_load %arg5[%parallel_loop3A_174, %parallel_loop3A_175] {strides = array<i32>} : memref<8x2048xf32, #tpu.memory_space<vmem>>, vector<1x16xf32>,
        %parallel_loop3A_177 = vector.shape_cast %parallel_loop3A_176 : vector<1x16xf32> to vector<16xf32>
        %parallel_loop3A_178 = vector.shape_cast %parallel_loop3A_172 : vector<16xf32> to vector<1x16xf32>
        tpu.vector_store %arg5[%parallel_loop3A_174, %parallel_loop3A_175], %parallel_loop3A_178 {add = true, strides = array<i32>} : memref<8x2048xf32, #tpu.memory_space<vmem>>, vector<1x16xf32>,
      } {sc.loop_unroll_factor = 8 : i64, sc.parallel_access}
      %parallel_loop3A_81 = arith.constant 0 : i32
      %parallel_loop3A_82 = arith.constant 2048 : i32
      %parallel_loop3A_83 = arith.constant 16 : i32
      scf.for %parallel_loop3A_167 = %parallel_loop3A_81 to %parallel_loop3A_82 step %parallel_loop3A_83  : i32 {
        %parallel_loop3A_168 = arith.constant 3 : i32
        %parallel_loop3A_169 = arith.index_cast %parallel_loop3A_168 : i32 to index
        %parallel_loop3A_170 = arith.index_cast %parallel_loop3A_167 : i32 to index
        %parallel_loop3A_171 = tpu.vector_load %arg6[%parallel_loop3A_169, %parallel_loop3A_170] {strides = array<i32>} : memref<8x2048xf32, #tpu.memory_space<vmem>>, vector<1x16xf32>,
        %parallel_loop3A_172 = vector.shape_cast %parallel_loop3A_171 : vector<1x16xf32> to vector<16xf32>
        %parallel_loop3A_173 = arith.constant 3 : i32
        %parallel_loop3A_174 = arith.index_cast %parallel_loop3A_173 : i32 to index
        %parallel_loop3A_175 = arith.index_cast %parallel_loop3A_167 : i32 to index
        %parallel_loop3A_176 = tpu.vector_load %arg5[%parallel_loop3A_174, %parallel_loop3A_175] {strides = array<i32>} : memref<8x2048xf32, #tpu.memory_space<vmem>>, vector<1x16xf32>,
        %parallel_loop3A_177 = vector.shape_cast %parallel_loop3A_176 : vector<1x16xf32> to vector<16xf32>
        %parallel_loop3A_178 = vector.shape_cast %parallel_loop3A_172 : vector<16xf32> to vector<1x16xf32>
        tpu.vector_store %arg5[%parallel_loop3A_174, %parallel_loop3A_175], %parallel_loop3A_178 {add = true, strides = array<i32>} : memref<8x2048xf32, #tpu.memory_space<vmem>>, vector<1x16xf32>,
      } {sc.loop_unroll_factor = 8 : i64, sc.parallel_access}
      %parallel_loop3A_84 = arith.constant 0 : i32
      %parallel_loop3A_85 = arith.constant 2048 : i32
      %parallel_loop3A_86 = arith.constant 16 : i32
      scf.for %parallel_loop3A_167 = %parallel_loop3A_84 to %parallel_loop3A_85 step %parallel_loop3A_86  : i32 {
        %parallel_loop3A_168 = arith.constant 4 : i32
        %parallel_loop3A_169 = arith.index_cast %parallel_loop3A_168 : i32 to index
        %parallel_loop3A_170 = arith.index_cast %parallel_loop3A_167 : i32 to index
        %parallel_loop3A_171 = tpu.vector_load %arg6[%parallel_loop3A_169, %parallel_loop3A_170] {strides = array<i32>} : memref<8x2048xf32, #tpu.memory_space<vmem>>, vector<1x16xf32>,
        %parallel_loop3A_172 = vector.shape_cast %parallel_loop3A_171 : vector<1x16xf32> to vector<16xf32>
        %parallel_loop3A_173 = arith.constant 4 : i32
        %parallel_loop3A_174 = arith.index_cast %parallel_loop3A_173 : i32 to index
        %parallel_loop3A_175 = arith.index_cast %parallel_loop3A_167 : i32 to index
        %parallel_loop3A_176 = tpu.vector_load %arg5[%parallel_loop3A_174, %parallel_loop3A_175] {strides = array<i32>} : memref<8x2048xf32, #tpu.memory_space<vmem>>, vector<1x16xf32>,
        %parallel_loop3A_177 = vector.shape_cast %parallel_loop3A_176 : vector<1x16xf32> to vector<16xf32>
        %parallel_loop3A_178 = vector.shape_cast %parallel_loop3A_172 : vector<16xf32> to vector<1x16xf32>
        tpu.vector_store %arg5[%parallel_loop3A_174, %parallel_loop3A_175], %parallel_loop3A_178 {add = true, strides = array<i32>} : memref<8x2048xf32, #tpu.memory_space<vmem>>, vector<1x16xf32>,
      } {sc.loop_unroll_factor = 8 : i64, sc.parallel_access}
      %parallel_loop3A_87 = arith.constant 0 : i32
      %parallel_loop3A_88 = arith.constant 2048 : i32
      %parallel_loop3A_89 = arith.constant 16 : i32
      scf.for %parallel_loop3A_167 = %parallel_loop3A_87 to %parallel_loop3A_88 step %parallel_loop3A_89  : i32 {
        %parallel_loop3A_168 = arith.constant 5 : i32
        %parallel_loop3A_169 = arith.index_cast %parallel_loop3A_168 : i32 to index
        %parallel_loop3A_170 = arith.index_cast %parallel_loop3A_167 : i32 to index
        %parallel_loop3A_171 = tpu.vector_load %arg6[%parallel_loop3A_169, %parallel_loop3A_170] {strides = array<i32>} : memref<8x2048xf32, #tpu.memory_space<vmem>>, vector<1x16xf32>,
        %parallel_loop3A_172 = vector.shape_cast %parallel_loop3A_171 : vector<1x16xf32> to vector<16xf32>
        %parallel_loop3A_173 = arith.constant 5 : i32
        %parallel_loop3A_174 = arith.index_cast %parallel_loop3A_173 : i32 to index
        %parallel_loop3A_175 = arith.index_cast %parallel_loop3A_167 : i32 to index
        %parallel_loop3A_176 = tpu.vector_load %arg5[%parallel_loop3A_174, %parallel_loop3A_175] {strides = array<i32>} : memref<8x2048xf32, #tpu.memory_space<vmem>>, vector<1x16xf32>,
        %parallel_loop3A_177 = vector.shape_cast %parallel_loop3A_176 : vector<1x16xf32> to vector<16xf32>
        %parallel_loop3A_178 = vector.shape_cast %parallel_loop3A_172 : vector<16xf32> to vector<1x16xf32>
        tpu.vector_store %arg5[%parallel_loop3A_174, %parallel_loop3A_175], %parallel_loop3A_178 {add = true, strides = array<i32>} : memref<8x2048xf32, #tpu.memory_space<vmem>>, vector<1x16xf32>,
      } {sc.loop_unroll_factor = 8 : i64, sc.parallel_access}
      %parallel_loop3A_90 = arith.constant 0 : i32
      %parallel_loop3A_91 = arith.constant 2048 : i32
      %parallel_loop3A_92 = arith.constant 16 : i32
      scf.for %parallel_loop3A_167 = %parallel_loop3A_90 to %parallel_loop3A_91 step %parallel_loop3A_92  : i32 {
        %parallel_loop3A_168 = arith.constant 6 : i32
        %parallel_loop3A_169 = arith.index_cast %parallel_loop3A_168 : i32 to index
        %parallel_loop3A_170 = arith.index_cast %parallel_loop3A_167 : i32 to index
        %parallel_loop3A_171 = tpu.vector_load %arg6[%parallel_loop3A_169, %parallel_loop3A_170] {strides = array<i32>} : memref<8x2048xf32, #tpu.memory_space<vmem>>, vector<1x16xf32>,
        %parallel_loop3A_172 = vector.shape_cast %parallel_loop3A_171 : vector<1x16xf32> to vector<16xf32>
        %parallel_loop3A_173 = arith.constant 6 : i32
        %parallel_loop3A_174 = arith.index_cast %parallel_loop3A_173 : i32 to index
        %parallel_loop3A_175 = arith.index_cast %parallel_loop3A_167 : i32 to index
        %parallel_loop3A_176 = tpu.vector_load %arg5[%parallel_loop3A_174, %parallel_loop3A_175] {strides = array<i32>} : memref<8x2048xf32, #tpu.memory_space<vmem>>, vector<1x16xf32>,
        %parallel_loop3A_177 = vector.shape_cast %parallel_loop3A_176 : vector<1x16xf32> to vector<16xf32>
        %parallel_loop3A_178 = vector.shape_cast %parallel_loop3A_172 : vector<16xf32> to vector<1x16xf32>
        tpu.vector_store %arg5[%parallel_loop3A_174, %parallel_loop3A_175], %parallel_loop3A_178 {add = true, strides = array<i32>} : memref<8x2048xf32, #tpu.memory_space<vmem>>, vector<1x16xf32>,
      } {sc.loop_unroll_factor = 8 : i64, sc.parallel_access}
      %parallel_loop3A_93 = arith.constant 0 : i32
      %parallel_loop3A_94 = arith.constant 2048 : i32
      %parallel_loop3A_95 = arith.constant 16 : i32
      scf.for %parallel_loop3A_167 = %parallel_loop3A_93 to %parallel_loop3A_94 step %parallel_loop3A_95  : i32 {
        %parallel_loop3A_168 = arith.constant 7 : i32
        %parallel_loop3A_169 = arith.index_cast %parallel_loop3A_168 : i32 to index
        %parallel_loop3A_170 = arith.index_cast %parallel_loop3A_167 : i32 to index
        %parallel_loop3A_171 = tpu.vector_load %arg6[%parallel_loop3A_169, %parallel_loop3A_170] {strides = array<i32>} : memref<8x2048xf32, #tpu.memory_space<vmem>>, vector<1x16xf32>,
        %parallel_loop3A_172 = vector.shape_cast %parallel_loop3A_171 : vector<1x16xf32> to vector<16xf32>
        %parallel_loop3A_173 = arith.constant 7 : i32
        %parallel_loop3A_174 = arith.index_cast %parallel_loop3A_173 : i32 to index
        %parallel_loop3A_175 = arith.index_cast %parallel_loop3A_167 : i32 to index
        %parallel_loop3A_176 = tpu.vector_load %arg5[%parallel_loop3A_174, %parallel_loop3A_175] {strides = array<i32>} : memref<8x2048xf32, #tpu.memory_space<vmem>>, vector<1x16xf32>,
        %parallel_loop3A_177 = vector.shape_cast %parallel_loop3A_176 : vector<1x16xf32> to vector<16xf32>
        %parallel_loop3A_178 = vector.shape_cast %parallel_loop3A_172 : vector<16xf32> to vector<1x16xf32>
        tpu.vector_store %arg5[%parallel_loop3A_174, %parallel_loop3A_175], %parallel_loop3A_178 {add = true, strides = array<i32>} : memref<8x2048xf32, #tpu.memory_space<vmem>>, vector<1x16xf32>,
      } {sc.loop_unroll_factor = 8 : i64, sc.parallel_access}
      %mul3A_96 = arith.constant 8 : i32
      %mul3A_97 = arith.muli %add3A_54, %mul3A_96 : i32
      %add3A_98 = arith.addi %mul3A_2, %mul3A_97 : i32
      %dma_start3A_99 = arith.constant 0 : i32
      %dma_start3A_100 = tpu.memref_slice %arg4[%add3A_98, %dma_start3A_99] : memref<3072x2048xf32, #tpu.memory_space<hbm>> -> memref<8x2048xf32, #tpu.memory_space<hbm>>
      %dma_start3A_101 = arith.constant 0 : i32
      %dma_start3A_102 = tpu.memref_slice %arg4[%add3A_98, %dma_start3A_101] : memref<3072x2048xf32, #tpu.memory_space<hbm>> -> memref<8x2048xf32, #tpu.memory_space<hbm>>
      tpu.enqueue_dma source(%arg5 : memref<8x2048xf32, #tpu.memory_space<vmem>>) target(%dma_start3A_102 : memref<8x2048xf32, #tpu.memory_space<hbm>>) target_semaphore(%arg13 : memref<!tpu.dma_semaphore, #tpu.memory_space<semaphore_mem>>)
      %add3A_103 = arith.constant 2 : i32
      %add3A_104 = arith.addi %add3A_54, %add3A_103 : i32
      %lt3A = arith.constant 12 : i32
      %lt3A_105 = arith.cmpi slt, %add3A_104, %lt3A : i32
      %convert_element_type3A = arith.extui %lt3A_105 : i1 to i32
      %cond3A = arith.constant 0 : i32
      %cond3A_106 = arith.cmpi ne, %convert_element_type3A, %cond3A : i32
      scf.if %cond3A_106 {
        %mul3A_167 = arith.constant 8 : i32
        %mul3A_168 = arith.muli %add3A_54, %mul3A_167 : i32
        %add3A_169 = arith.addi %mul3A_2, %mul3A_168 : i32
        %dma_wait3A_170 = arith.constant 0 : i32
        %dma_wait3A_171 = tpu.memref_slice %arg4[%add3A_169, %dma_wait3A_170] : memref<3072x2048xf32, #tpu.memory_space<hbm>> -> memref<8x2048xf32, #tpu.memory_space<hbm>>
        %dma_wait3A_172 = arith.constant 0 : i32
        %dma_wait3A_173 = tpu.memref_slice %arg4[%add3A_169, %dma_wait3A_172] : memref<3072x2048xf32, #tpu.memory_space<hbm>> -> memref<8x2048xf32, #tpu.memory_space<hbm>>
        tpu.wait_dma2 semaphore(%arg13 : memref<!tpu.dma_semaphore, #tpu.memory_space<semaphore_mem>>) src(%arg5 : memref<8x2048xf32, #tpu.memory_space<vmem>>) dst(%dma_wait3A_173 : memref<8x2048xf32, #tpu.memory_space<hbm>>)
        %add3A_174 = arith.constant 2 : i32
        %add3A_175 = arith.addi %add3A_54, %add3A_174 : i32
        %add3A_176 = arith.constant 5120 : i32
        %add3A_177 = arith.addi %add3A_176, %mul3A_2 : i32
        %mul3A_178 = arith.constant 8 : i32
        %mul3A_179 = arith.muli %add3A_175, %mul3A_178 : i32
        %add3A_180 = arith.addi %add3A_177, %mul3A_179 : i32
        %dma_start3A_181 = arith.constant 0 : i32
        %dma_start3A_182 = tpu.memref_slice %arg2[%add3A_180, %dma_start3A_181] : memref<8192x2048xf32, #tpu.memory_space<hbm>> -> memref<8x2048xf32, #tpu.memory_space<hbm>>
        %dma_start3A_183 = arith.constant 0 : i32
        %dma_start3A_184 = tpu.memref_slice %arg2[%add3A_180, %dma_start3A_183] : memref<8192x2048xf32, #tpu.memory_space<hbm>> -> memref<8x2048xf32, #tpu.memory_space<hbm>>
        tpu.enqueue_dma source(%dma_start3A_184 : memref<8x2048xf32, #tpu.memory_space<hbm>>) target(%arg5 : memref<8x2048xf32, #tpu.memory_space<vmem>>) target_semaphore(%arg9 : memref<!tpu.dma_semaphore, #tpu.memory_space<semaphore_mem>>)
        %add3A_185 = arith.constant 2 : i32
        %add3A_186 = arith.addi %add3A_54, %add3A_185 : i32
        %add3A_187 = arith.constant 5120 : i32
        %add3A_188 = arith.addi %add3A_187, %mul3A_2 : i32
        %mul3A_189 = arith.constant 8 : i32
        %mul3A_190 = arith.muli %add3A_186, %mul3A_189 : i32
        %add3A_191 = arith.addi %add3A_188, %mul3A_190 : i32
        %dma_start3A_192 = arith.constant 0 : i32
        %dma_start3A_193 = tpu.memref_slice %arg3[%add3A_191, %dma_start3A_192] : memref<8192x2048xf32, #tpu.memory_space<hbm>> -> memref<8x2048xf32, #tpu.memory_space<hbm>>
        %dma_start3A_194 = arith.constant 0 : i32
        %dma_start3A_195 = tpu.memref_slice %arg3[%add3A_191, %dma_start3A_194] : memref<8192x2048xf32, #tpu.memory_space<hbm>> -> memref<8x2048xf32, #tpu.memory_space<hbm>>
        tpu.enqueue_dma source(%dma_start3A_195 : memref<8x2048xf32, #tpu.memory_space<hbm>>) target(%arg6 : memref<8x2048xf32, #tpu.memory_space<vmem>>) target_semaphore(%arg10 : memref<!tpu.dma_semaphore, #tpu.memory_space<semaphore_mem>>)
      } else {
      }
      %mul3A_107 = arith.constant 2 : i32
      %mul3A_108 = arith.muli %scan3A_50, %mul3A_107 : i32
      %add3A_109 = arith.constant 1 : i32
      %add3A_110 = arith.addi %mul3A_108, %add3A_109 : i32
      %add3A_111 = arith.constant 5120 : i32
      %add3A_112 = arith.addi %add3A_111, %mul3A_2 : i32
      %mul3A_113 = arith.constant 8 : i32
      %mul3A_114 = arith.muli %add3A_110, %mul3A_113 : i32
      %add3A_115 = arith.addi %add3A_112, %mul3A_114 : i32
      %dma_wait3A_116 = arith.constant 0 : i32
      %dma_wait3A_117 = tpu.memref_slice %arg2[%add3A_115, %dma_wait3A_116] : memref<8192x2048xf32, #tpu.memory_space<hbm>> -> memref<8x2048xf32, #tpu.memory_space<hbm>>
      %dma_wait3A_118 = arith.constant 0 : i32
      %dma_wait3A_119 = tpu.memref_slice %arg2[%add3A_115, %dma_wait3A_118] : memref<8192x2048xf32, #tpu.memory_space<hbm>> -> memref<8x2048xf32, #tpu.memory_space<hbm>>
      tpu.wait_dma2 semaphore(%arg11 : memref<!tpu.dma_semaphore, #tpu.memory_space<semaphore_mem>>) src(%dma_wait3A_119 : memref<8x2048xf32, #tpu.memory_space<hbm>>) dst(%arg7 : memref<8x2048xf32, #tpu.memory_space<vmem>>)
      %add3A_120 = arith.constant 5120 : i32
      %add3A_121 = arith.addi %add3A_120, %mul3A_2 : i32
      %mul3A_122 = arith.constant 8 : i32
      %mul3A_123 = arith.muli %add3A_110, %mul3A_122 : i32
      %add3A_124 = arith.addi %add3A_121, %mul3A_123 : i32
      %dma_wait3A_125 = arith.constant 0 : i32
      %dma_wait3A_126 = tpu.memref_slice %arg3[%add3A_124, %dma_wait3A_125] : memref<8192x2048xf32, #tpu.memory_space<hbm>> -> memref<8x2048xf32, #tpu.memory_space<hbm>>
      %dma_wait3A_127 = arith.constant 0 : i32
      %dma_wait3A_128 = tpu.memref_slice %arg3[%add3A_124, %dma_wait3A_127] : memref<8192x2048xf32, #tpu.memory_space<hbm>> -> memref<8x2048xf32, #tpu.memory_space<hbm>>
      tpu.wait_dma2 semaphore(%arg12 : memref<!tpu.dma_semaphore, #tpu.memory_space<semaphore_mem>>) src(%dma_wait3A_128 : memref<8x2048xf32, #tpu.memory_space<hbm>>) dst(%arg8 : memref<8x2048xf32, #tpu.memory_space<vmem>>)
      %parallel_loop3A_129 = arith.constant 0 : i32
      %parallel_loop3A_130 = arith.constant 2048 : i32
      %parallel_loop3A_131 = arith.constant 16 : i32
      scf.for %parallel_loop3A_167 = %parallel_loop3A_129 to %parallel_loop3A_130 step %parallel_loop3A_131  : i32 {
        %parallel_loop3A_168 = arith.constant 0 : i32
        %parallel_loop3A_169 = arith.index_cast %parallel_loop3A_168 : i32 to index
        %parallel_loop3A_170 = arith.index_cast %parallel_loop3A_167 : i32 to index
        %parallel_loop3A_171 = tpu.vector_load %arg8[%parallel_loop3A_169, %parallel_loop3A_170] {strides = array<i32>} : memref<8x2048xf32, #tpu.memory_space<vmem>>, vector<1x16xf32>,
        %parallel_loop3A_172 = vector.shape_cast %parallel_loop3A_171 : vector<1x16xf32> to vector<16xf32>
        %parallel_loop3A_173 = arith.constant 0 : i32
        %parallel_loop3A_174 = arith.index_cast %parallel_loop3A_173 : i32 to index
        %parallel_loop3A_175 = arith.index_cast %parallel_loop3A_167 : i32 to index
        %parallel_loop3A_176 = tpu.vector_load %arg7[%parallel_loop3A_174, %parallel_loop3A_175] {strides = array<i32>} : memref<8x2048xf32, #tpu.memory_space<vmem>>, vector<1x16xf32>,
        %parallel_loop3A_177 = vector.shape_cast %parallel_loop3A_176 : vector<1x16xf32> to vector<16xf32>
        %parallel_loop3A_178 = vector.shape_cast %parallel_loop3A_172 : vector<16xf32> to vector<1x16xf32>
        tpu.vector_store %arg7[%parallel_loop3A_174, %parallel_loop3A_175], %parallel_loop3A_178 {add = true, strides = array<i32>} : memref<8x2048xf32, #tpu.memory_space<vmem>>, vector<1x16xf32>,
      } {sc.loop_unroll_factor = 8 : i64, sc.parallel_access}
      %parallel_loop3A_132 = arith.constant 0 : i32
      %parallel_loop3A_133 = arith.constant 2048 : i32
      %parallel_loop3A_134 = arith.constant 16 : i32
      scf.for %parallel_loop3A_167 = %parallel_loop3A_132 to %parallel_loop3A_133 step %parallel_loop3A_134  : i32 {
        %parallel_loop3A_168 = arith.constant 1 : i32
        %parallel_loop3A_169 = arith.index_cast %parallel_loop3A_168 : i32 to index
        %parallel_loop3A_170 = arith.index_cast %parallel_loop3A_167 : i32 to index
        %parallel_loop3A_171 = tpu.vector_load %arg8[%parallel_loop3A_169, %parallel_loop3A_170] {strides = array<i32>} : memref<8x2048xf32, #tpu.memory_space<vmem>>, vector<1x16xf32>,
        %parallel_loop3A_172 = vector.shape_cast %parallel_loop3A_171 : vector<1x16xf32> to vector<16xf32>
        %parallel_loop3A_173 = arith.constant 1 : i32
        %parallel_loop3A_174 = arith.index_cast %parallel_loop3A_173 : i32 to index
        %parallel_loop3A_175 = arith.index_cast %parallel_loop3A_167 : i32 to index
        %parallel_loop3A_176 = tpu.vector_load %arg7[%parallel_loop3A_174, %parallel_loop3A_175] {strides = array<i32>} : memref<8x2048xf32, #tpu.memory_space<vmem>>, vector<1x16xf32>,
        %parallel_loop3A_177 = vector.shape_cast %parallel_loop3A_176 : vector<1x16xf32> to vector<16xf32>
        %parallel_loop3A_178 = vector.shape_cast %parallel_loop3A_172 : vector<16xf32> to vector<1x16xf32>
        tpu.vector_store %arg7[%parallel_loop3A_174, %parallel_loop3A_175], %parallel_loop3A_178 {add = true, strides = array<i32>} : memref<8x2048xf32, #tpu.memory_space<vmem>>, vector<1x16xf32>,
      } {sc.loop_unroll_factor = 8 : i64, sc.parallel_access}
      %parallel_loop3A_135 = arith.constant 0 : i32
      %parallel_loop3A_136 = arith.constant 2048 : i32
      %parallel_loop3A_137 = arith.constant 16 : i32
      scf.for %parallel_loop3A_167 = %parallel_loop3A_135 to %parallel_loop3A_136 step %parallel_loop3A_137  : i32 {
        %parallel_loop3A_168 = arith.constant 2 : i32
        %parallel_loop3A_169 = arith.index_cast %parallel_loop3A_168 : i32 to index
        %parallel_loop3A_170 = arith.index_cast %parallel_loop3A_167 : i32 to index
        %parallel_loop3A_171 = tpu.vector_load %arg8[%parallel_loop3A_169, %parallel_loop3A_170] {strides = array<i32>} : memref<8x2048xf32, #tpu.memory_space<vmem>>, vector<1x16xf32>,
        %parallel_loop3A_172 = vector.shape_cast %parallel_loop3A_171 : vector<1x16xf32> to vector<16xf32>
        %parallel_loop3A_173 = arith.constant 2 : i32
        %parallel_loop3A_174 = arith.index_cast %parallel_loop3A_173 : i32 to index
        %parallel_loop3A_175 = arith.index_cast %parallel_loop3A_167 : i32 to index
        %parallel_loop3A_176 = tpu.vector_load %arg7[%parallel_loop3A_174, %parallel_loop3A_175] {strides = array<i32>} : memref<8x2048xf32, #tpu.memory_space<vmem>>, vector<1x16xf32>,
        %parallel_loop3A_177 = vector.shape_cast %parallel_loop3A_176 : vector<1x16xf32> to vector<16xf32>
        %parallel_loop3A_178 = vector.shape_cast %parallel_loop3A_172 : vector<16xf32> to vector<1x16xf32>
        tpu.vector_store %arg7[%parallel_loop3A_174, %parallel_loop3A_175], %parallel_loop3A_178 {add = true, strides = array<i32>} : memref<8x2048xf32, #tpu.memory_space<vmem>>, vector<1x16xf32>,
      } {sc.loop_unroll_factor = 8 : i64, sc.parallel_access}
      %parallel_loop3A_138 = arith.constant 0 : i32
      %parallel_loop3A_139 = arith.constant 2048 : i32
      %parallel_loop3A_140 = arith.constant 16 : i32
      scf.for %parallel_loop3A_167 = %parallel_loop3A_138 to %parallel_loop3A_139 step %parallel_loop3A_140  : i32 {
        %parallel_loop3A_168 = arith.constant 3 : i32
        %parallel_loop3A_169 = arith.index_cast %parallel_loop3A_168 : i32 to index
        %parallel_loop3A_170 = arith.index_cast %parallel_loop3A_167 : i32 to index
        %parallel_loop3A_171 = tpu.vector_load %arg8[%parallel_loop3A_169, %parallel_loop3A_170] {strides = array<i32>} : memref<8x2048xf32, #tpu.memory_space<vmem>>, vector<1x16xf32>,
        %parallel_loop3A_172 = vector.shape_cast %parallel_loop3A_171 : vector<1x16xf32> to vector<16xf32>
        %parallel_loop3A_173 = arith.constant 3 : i32
        %parallel_loop3A_174 = arith.index_cast %parallel_loop3A_173 : i32 to index
        %parallel_loop3A_175 = arith.index_cast %parallel_loop3A_167 : i32 to index
        %parallel_loop3A_176 = tpu.vector_load %arg7[%parallel_loop3A_174, %parallel_loop3A_175] {strides = array<i32>} : memref<8x2048xf32, #tpu.memory_space<vmem>>, vector<1x16xf32>,
        %parallel_loop3A_177 = vector.shape_cast %parallel_loop3A_176 : vector<1x16xf32> to vector<16xf32>
        %parallel_loop3A_178 = vector.shape_cast %parallel_loop3A_172 : vector<16xf32> to vector<1x16xf32>
        tpu.vector_store %arg7[%parallel_loop3A_174, %parallel_loop3A_175], %parallel_loop3A_178 {add = true, strides = array<i32>} : memref<8x2048xf32, #tpu.memory_space<vmem>>, vector<1x16xf32>,
      } {sc.loop_unroll_factor = 8 : i64, sc.parallel_access}
      %parallel_loop3A_141 = arith.constant 0 : i32
      %parallel_loop3A_142 = arith.constant 2048 : i32
      %parallel_loop3A_143 = arith.constant 16 : i32
      scf.for %parallel_loop3A_167 = %parallel_loop3A_141 to %parallel_loop3A_142 step %parallel_loop3A_143  : i32 {
        %parallel_loop3A_168 = arith.constant 4 : i32
        %parallel_loop3A_169 = arith.index_cast %parallel_loop3A_168 : i32 to index
        %parallel_loop3A_170 = arith.index_cast %parallel_loop3A_167 : i32 to index
        %parallel_loop3A_171 = tpu.vector_load %arg8[%parallel_loop3A_169, %parallel_loop3A_170] {strides = array<i32>} : memref<8x2048xf32, #tpu.memory_space<vmem>>, vector<1x16xf32>,
        %parallel_loop3A_172 = vector.shape_cast %parallel_loop3A_171 : vector<1x16xf32> to vector<16xf32>
        %parallel_loop3A_173 = arith.constant 4 : i32
        %parallel_loop3A_174 = arith.index_cast %parallel_loop3A_173 : i32 to index
        %parallel_loop3A_175 = arith.index_cast %parallel_loop3A_167 : i32 to index
        %parallel_loop3A_176 = tpu.vector_load %arg7[%parallel_loop3A_174, %parallel_loop3A_175] {strides = array<i32>} : memref<8x2048xf32, #tpu.memory_space<vmem>>, vector<1x16xf32>,
        %parallel_loop3A_177 = vector.shape_cast %parallel_loop3A_176 : vector<1x16xf32> to vector<16xf32>
        %parallel_loop3A_178 = vector.shape_cast %parallel_loop3A_172 : vector<16xf32> to vector<1x16xf32>
        tpu.vector_store %arg7[%parallel_loop3A_174, %parallel_loop3A_175], %parallel_loop3A_178 {add = true, strides = array<i32>} : memref<8x2048xf32, #tpu.memory_space<vmem>>, vector<1x16xf32>,
      } {sc.loop_unroll_factor = 8 : i64, sc.parallel_access}
      %parallel_loop3A_144 = arith.constant 0 : i32
      %parallel_loop3A_145 = arith.constant 2048 : i32
      %parallel_loop3A_146 = arith.constant 16 : i32
      scf.for %parallel_loop3A_167 = %parallel_loop3A_144 to %parallel_loop3A_145 step %parallel_loop3A_146  : i32 {
        %parallel_loop3A_168 = arith.constant 5 : i32
        %parallel_loop3A_169 = arith.index_cast %parallel_loop3A_168 : i32 to index
        %parallel_loop3A_170 = arith.index_cast %parallel_loop3A_167 : i32 to index
        %parallel_loop3A_171 = tpu.vector_load %arg8[%parallel_loop3A_169, %parallel_loop3A_170] {strides = array<i32>} : memref<8x2048xf32, #tpu.memory_space<vmem>>, vector<1x16xf32>,
        %parallel_loop3A_172 = vector.shape_cast %parallel_loop3A_171 : vector<1x16xf32> to vector<16xf32>
        %parallel_loop3A_173 = arith.constant 5 : i32
        %parallel_loop3A_174 = arith.index_cast %parallel_loop3A_173 : i32 to index
        %parallel_loop3A_175 = arith.index_cast %parallel_loop3A_167 : i32 to index
        %parallel_loop3A_176 = tpu.vector_load %arg7[%parallel_loop3A_174, %parallel_loop3A_175] {strides = array<i32>} : memref<8x2048xf32, #tpu.memory_space<vmem>>, vector<1x16xf32>,
        %parallel_loop3A_177 = vector.shape_cast %parallel_loop3A_176 : vector<1x16xf32> to vector<16xf32>
        %parallel_loop3A_178 = vector.shape_cast %parallel_loop3A_172 : vector<16xf32> to vector<1x16xf32>
        tpu.vector_store %arg7[%parallel_loop3A_174, %parallel_loop3A_175], %parallel_loop3A_178 {add = true, strides = array<i32>} : memref<8x2048xf32, #tpu.memory_space<vmem>>, vector<1x16xf32>,
      } {sc.loop_unroll_factor = 8 : i64, sc.parallel_access}
      %parallel_loop3A_147 = arith.constant 0 : i32
      %parallel_loop3A_148 = arith.constant 2048 : i32
      %parallel_loop3A_149 = arith.constant 16 : i32
      scf.for %parallel_loop3A_167 = %parallel_loop3A_147 to %parallel_loop3A_148 step %parallel_loop3A_149  : i32 {
        %parallel_loop3A_168 = arith.constant 6 : i32
        %parallel_loop3A_169 = arith.index_cast %parallel_loop3A_168 : i32 to index
        %parallel_loop3A_170 = arith.index_cast %parallel_loop3A_167 : i32 to index
        %parallel_loop3A_171 = tpu.vector_load %arg8[%parallel_loop3A_169, %parallel_loop3A_170] {strides = array<i32>} : memref<8x2048xf32, #tpu.memory_space<vmem>>, vector<1x16xf32>,
        %parallel_loop3A_172 = vector.shape_cast %parallel_loop3A_171 : vector<1x16xf32> to vector<16xf32>
        %parallel_loop3A_173 = arith.constant 6 : i32
        %parallel_loop3A_174 = arith.index_cast %parallel_loop3A_173 : i32 to index
        %parallel_loop3A_175 = arith.index_cast %parallel_loop3A_167 : i32 to index
        %parallel_loop3A_176 = tpu.vector_load %arg7[%parallel_loop3A_174, %parallel_loop3A_175] {strides = array<i32>} : memref<8x2048xf32, #tpu.memory_space<vmem>>, vector<1x16xf32>,
        %parallel_loop3A_177 = vector.shape_cast %parallel_loop3A_176 : vector<1x16xf32> to vector<16xf32>
        %parallel_loop3A_178 = vector.shape_cast %parallel_loop3A_172 : vector<16xf32> to vector<1x16xf32>
        tpu.vector_store %arg7[%parallel_loop3A_174, %parallel_loop3A_175], %parallel_loop3A_178 {add = true, strides = array<i32>} : memref<8x2048xf32, #tpu.memory_space<vmem>>, vector<1x16xf32>,
      } {sc.loop_unroll_factor = 8 : i64, sc.parallel_access}
      %parallel_loop3A_150 = arith.constant 0 : i32
      %parallel_loop3A_151 = arith.constant 2048 : i32
      %parallel_loop3A_152 = arith.constant 16 : i32
      scf.for %parallel_loop3A_167 = %parallel_loop3A_150 to %parallel_loop3A_151 step %parallel_loop3A_152  : i32 {
        %parallel_loop3A_168 = arith.constant 7 : i32
        %parallel_loop3A_169 = arith.index_cast %parallel_loop3A_168 : i32 to index
        %parallel_loop3A_170 = arith.index_cast %parallel_loop3A_167 : i32 to index
        %parallel_loop3A_171 = tpu.vector_load %arg8[%parallel_loop3A_169, %parallel_loop3A_170] {strides = array<i32>} : memref<8x2048xf32, #tpu.memory_space<vmem>>, vector<1x16xf32>,
        %parallel_loop3A_172 = vector.shape_cast %parallel_loop3A_171 : vector<1x16xf32> to vector<16xf32>
        %parallel_loop3A_173 = arith.constant 7 : i32
        %parallel_loop3A_174 = arith.index_cast %parallel_loop3A_173 : i32 to index
        %parallel_loop3A_175 = arith.index_cast %parallel_loop3A_167 : i32 to index
        %parallel_loop3A_176 = tpu.vector_load %arg7[%parallel_loop3A_174, %parallel_loop3A_175] {strides = array<i32>} : memref<8x2048xf32, #tpu.memory_space<vmem>>, vector<1x16xf32>,
        %parallel_loop3A_177 = vector.shape_cast %parallel_loop3A_176 : vector<1x16xf32> to vector<16xf32>
        %parallel_loop3A_178 = vector.shape_cast %parallel_loop3A_172 : vector<16xf32> to vector<1x16xf32>
        tpu.vector_store %arg7[%parallel_loop3A_174, %parallel_loop3A_175], %parallel_loop3A_178 {add = true, strides = array<i32>} : memref<8x2048xf32, #tpu.memory_space<vmem>>, vector<1x16xf32>,
      } {sc.loop_unroll_factor = 8 : i64, sc.parallel_access}
      %mul3A_153 = arith.constant 8 : i32
      %mul3A_154 = arith.muli %add3A_110, %mul3A_153 : i32
      %add3A_155 = arith.addi %mul3A_2, %mul3A_154 : i32
      %dma_start3A_156 = arith.constant 0 : i32
      %dma_start3A_157 = tpu.memref_slice %arg4[%add3A_155, %dma_start3A_156] : memref<3072x2048xf32, #tpu.memory_space<hbm>> -> memref<8x2048xf32, #tpu.memory_space<hbm>>
      %dma_start3A_158 = arith.constant 0 : i32
      %dma_start3A_159 = tpu.memref_slice %arg4[%add3A_155, %dma_start3A_158] : memref<3072x2048xf32, #tpu.memory_space<hbm>> -> memref<8x2048xf32, #tpu.memory_space<hbm>>
      tpu.enqueue_dma source(%arg7 : memref<8x2048xf32, #tpu.memory_space<vmem>>) target(%dma_start3A_159 : memref<8x2048xf32, #tpu.memory_space<hbm>>) target_semaphore(%arg14 : memref<!tpu.dma_semaphore, #tpu.memory_space<semaphore_mem>>)
      %add3A_160 = arith.constant 2 : i32
      %add3A_161 = arith.addi %add3A_110, %add3A_160 : i32
      %lt3A_162 = arith.constant 12 : i32
      %lt3A_163 = arith.cmpi slt, %add3A_161, %lt3A_162 : i32
      %convert_element_type3A_164 = arith.extui %lt3A_163 : i1 to i32
      %cond3A_165 = arith.constant 0 : i32
      %cond3A_166 = arith.cmpi ne, %convert_element_type3A_164, %cond3A_165 : i32
      scf.if %cond3A_166 {
        %mul3A_167 = arith.constant 8 : i32
        %mul3A_168 = arith.muli %add3A_110, %mul3A_167 : i32
        %add3A_169 = arith.addi %mul3A_2, %mul3A_168 : i32
        %dma_wait3A_170 = arith.constant 0 : i32
        %dma_wait3A_171 = tpu.memref_slice %arg4[%add3A_169, %dma_wait3A_170] : memref<3072x2048xf32, #tpu.memory_space<hbm>> -> memref<8x2048xf32, #tpu.memory_space<hbm>>
        %dma_wait3A_172 = arith.constant 0 : i32
        %dma_wait3A_173 = tpu.memref_slice %arg4[%add3A_169, %dma_wait3A_172] : memref<3072x2048xf32, #tpu.memory_space<hbm>> -> memref<8x2048xf32, #tpu.memory_space<hbm>>
        tpu.wait_dma2 semaphore(%arg14 : memref<!tpu.dma_semaphore, #tpu.memory_space<semaphore_mem>>) src(%arg7 : memref<8x2048xf32, #tpu.memory_space<vmem>>) dst(%dma_wait3A_173 : memref<8x2048xf32, #tpu.memory_space<hbm>>)
        %add3A_174 = arith.constant 2 : i32
        %add3A_175 = arith.addi %add3A_110, %add3A_174 : i32
        %add3A_176 = arith.constant 5120 : i32
        %add3A_177 = arith.addi %add3A_176, %mul3A_2 : i32
        %mul3A_178 = arith.constant 8 : i32
        %mul3A_179 = arith.muli %add3A_175, %mul3A_178 : i32
        %add3A_180 = arith.addi %add3A_177, %mul3A_179 : i32
        %dma_start3A_181 = arith.constant 0 : i32
        %dma_start3A_182 = tpu.memref_slice %arg2[%add3A_180, %dma_start3A_181] : memref<8192x2048xf32, #tpu.memory_space<hbm>> -> memref<8x2048xf32, #tpu.memory_space<hbm>>
        %dma_start3A_183 = arith.constant 0 : i32
        %dma_start3A_184 = tpu.memref_slice %arg2[%add3A_180, %dma_start3A_183] : memref<8192x2048xf32, #tpu.memory_space<hbm>> -> memref<8x2048xf32, #tpu.memory_space<hbm>>
        tpu.enqueue_dma source(%dma_start3A_184 : memref<8x2048xf32, #tpu.memory_space<hbm>>) target(%arg7 : memref<8x2048xf32, #tpu.memory_space<vmem>>) target_semaphore(%arg11 : memref<!tpu.dma_semaphore, #tpu.memory_space<semaphore_mem>>)
        %add3A_185 = arith.constant 2 : i32
        %add3A_186 = arith.addi %add3A_110, %add3A_185 : i32
        %add3A_187 = arith.constant 5120 : i32
        %add3A_188 = arith.addi %add3A_187, %mul3A_2 : i32
        %mul3A_189 = arith.constant 8 : i32
        %mul3A_190 = arith.muli %add3A_186, %mul3A_189 : i32
        %add3A_191 = arith.addi %add3A_188, %mul3A_190 : i32
        %dma_start3A_192 = arith.constant 0 : i32
        %dma_start3A_193 = tpu.memref_slice %arg3[%add3A_191, %dma_start3A_192] : memref<8192x2048xf32, #tpu.memory_space<hbm>> -> memref<8x2048xf32, #tpu.memory_space<hbm>>
        %dma_start3A_194 = arith.constant 0 : i32
        %dma_start3A_195 = tpu.memref_slice %arg3[%add3A_191, %dma_start3A_194] : memref<8192x2048xf32, #tpu.memory_space<hbm>> -> memref<8x2048xf32, #tpu.memory_space<hbm>>
        tpu.enqueue_dma source(%dma_start3A_195 : memref<8x2048xf32, #tpu.memory_space<hbm>>) target(%arg8 : memref<8x2048xf32, #tpu.memory_space<vmem>>) target_semaphore(%arg12 : memref<!tpu.dma_semaphore, #tpu.memory_space<semaphore_mem>>)
      } else {
      }
    }
    %scan3A_38 = arith.constant 6 : i32
    %add3A_39 = arith.constant 80 : i32
    %add3A_40 = arith.addi %mul3A_2, %add3A_39 : i32
    %dma_wait3A = arith.constant 0 : i32
    %dma_wait3A_41 = tpu.memref_slice %arg4[%add3A_40, %dma_wait3A] : memref<3072x2048xf32, #tpu.memory_space<hbm>> -> memref<8x2048xf32, #tpu.memory_space<hbm>>
    %dma_wait3A_42 = arith.constant 0 : i32
    %dma_wait3A_43 = tpu.memref_slice %arg4[%add3A_40, %dma_wait3A_42] : memref<3072x2048xf32, #tpu.memory_space<hbm>> -> memref<8x2048xf32, #tpu.memory_space<hbm>>
    tpu.wait_dma2 semaphore(%arg13 : memref<!tpu.dma_semaphore, #tpu.memory_space<semaphore_mem>>) src(%arg5 : memref<8x2048xf32, #tpu.memory_space<vmem>>) dst(%dma_wait3A_43 : memref<8x2048xf32, #tpu.memory_space<hbm>>)
    %add3A_44 = arith.constant 88 : i32
    %add3A_45 = arith.addi %mul3A_2, %add3A_44 : i32
    %dma_wait3A_46 = arith.constant 0 : i32
    %dma_wait3A_47 = tpu.memref_slice %arg4[%add3A_45, %dma_wait3A_46] : memref<3072x2048xf32, #tpu.memory_space<hbm>> -> memref<8x2048xf32, #tpu.memory_space<hbm>>
    %dma_wait3A_48 = arith.constant 0 : i32
    %dma_wait3A_49 = tpu.memref_slice %arg4[%add3A_45, %dma_wait3A_48] : memref<3072x2048xf32, #tpu.memory_space<hbm>> -> memref<8x2048xf32, #tpu.memory_space<hbm>>
    tpu.wait_dma2 semaphore(%arg14 : memref<!tpu.dma_semaphore, #tpu.memory_space<semaphore_mem>>) src(%arg7 : memref<8x2048xf32, #tpu.memory_space<vmem>>) dst(%dma_wait3A_49 : memref<8x2048xf32, #tpu.memory_space<hbm>>)
    return
  }
}

module attributes {stable_mosaic.version = 14 : i64} {
  func.func @_tc_add_body(%arg0: i32, %arg1: memref<256x2048xf32, #tpu.memory_space<vmem>>, %arg2: memref<256x2048xf32, #tpu.memory_space<vmem>>, %arg3: memref<256x2048xf32, #tpu.memory_space<vmem>>) attributes {dimension_semantics = [#tpu.dimension_semantics<arbitrary>], iteration_bounds = array<i64: 20>, scalar_prefetch = 0 : i64, scratch_operands = 0 : i64, tpu.core_type = #tpu.core_type<tc>, window_params = [{transform_indices = @transform_0, window_bounds = array<i64: 256, 2048>}, {transform_indices = @transform_1, window_bounds = array<i64: 256, 2048>}, {transform_indices = @transform_2, window_bounds = array<i64: 256, 2048>}]} {
    %get3A = arith.constant 0 : index
    %get3A_0 = arith.constant 0 : index
    %get3A_1 = vector.load %arg1[%get3A, %get3A_0] : memref<256x2048xf32, #tpu.memory_space<vmem>>, vector<256x2048xf32>
    %get3A_2 = arith.constant 0 : index
    %get3A_3 = arith.constant 0 : index
    %get3A_4 = vector.load %arg2[%get3A_2, %get3A_3] : memref<256x2048xf32, #tpu.memory_space<vmem>>, vector<256x2048xf32>
    %add3A = arith.addf %get3A_1, %get3A_4 : vector<256x2048xf32>
    %swap3A = arith.constant 0 : index
    %swap3A_5 = arith.constant 0 : index
    %swap3A_6 = vector.load %arg3[%swap3A, %swap3A_5] : memref<256x2048xf32, #tpu.memory_space<vmem>>, vector<256x2048xf32>
    tpu.vector_store %arg3[%swap3A, %swap3A_5], %add3A {strides = array<i32>} : memref<256x2048xf32, #tpu.memory_space<vmem>>, vector<256x2048xf32>,
    return
  }
  func.func @transform_0(%arg0: i32) -> (i32, i32) {
    %c0_i32 = arith.constant 0 : i32
    %c0_i32_0 = arith.constant 0 : i32
    return %arg0, %c0_i32 : i32, i32
  }
  func.func @transform_1(%arg0: i32) -> (i32, i32) {
    %c0_i32 = arith.constant 0 : i32
    %c0_i32_0 = arith.constant 0 : i32
    return %arg0, %c0_i32 : i32, i32
  }
  func.func @transform_2(%arg0: i32) -> (i32, i32) {
    %c0_i32 = arith.constant 0 : i32
    %c0_i32_0 = arith.constant 0 : i32
    return %arg0, %c0_i32 : i32, i32
  }
}

module attributes {stable_mosaic.version = 14 : i64} {
  func.func @_tc_merge_body(%arg0: i32, %arg1: memref<8192x2048xf32, #tpu.memory_space<any>>, %arg2: memref<256x2048xf32, #tpu.memory_space<vmem>>, %arg3: memref<256x2048xf32, #tpu.memory_space<vmem>>) attributes {dimension_semantics = [#tpu.dimension_semantics<arbitrary>], iteration_bounds = array<i64: 12>, scalar_prefetch = 0 : i64, scratch_operands = 0 : i64, tpu.core_type = #tpu.core_type<tc>, window_params = [{}, {transform_indices = @transform_1, window_bounds = array<i64: 256, 2048>}, {transform_indices = @transform_2, window_bounds = array<i64: 256, 2048>}]} {
    %get3A = arith.constant 0 : index
    %get3A_0 = arith.constant 0 : index
    %get3A_1 = vector.load %arg2[%get3A, %get3A_0] : memref<256x2048xf32, #tpu.memory_space<vmem>>, vector<256x2048xf32>
    %swap3A = arith.constant 0 : index
    %swap3A_2 = arith.constant 0 : index
    %swap3A_3 = vector.load %arg3[%swap3A, %swap3A_2] : memref<256x2048xf32, #tpu.memory_space<vmem>>, vector<256x2048xf32>
    tpu.vector_store %arg3[%swap3A, %swap3A_2], %get3A_1 {strides = array<i32>} : memref<256x2048xf32, #tpu.memory_space<vmem>>, vector<256x2048xf32>,
    return
  }
  func.func @transform_1(%arg0: i32) -> (i32, i32) {
    %c0_i32 = arith.constant 0 : i32
    %c0_i32_0 = arith.constant 0 : i32
    return %arg0, %c0_i32 : i32, i32
  }
  func.func @transform_2(%arg0: i32) -> (i32, i32) {
    %add3A = arith.constant 20 : i32
    %add3A_0 = arith.addi %arg0, %add3A : i32
    %c0_i32 = arith.constant 0 : i32
    %c0_i32_1 = arith.constant 0 : i32
    return %add3A_0, %c0_i32 : i32, i32
  }
}

</mosaic_0001>

<sc_bundles>
// kernel: kernel.5.cloned.1.call-start
scs
__scs_entry_jumppad:
0x0: {  	(pc) =	sbr.rel $0x88, $3  }
0x1: {  	(tag) =	ssettag $0x0;
	lr =	simm.s32 $0x1  }
0x2: {  	[smem:$0x3F9F] =	sst lr;
	_ =	strace $0xD0000000  }
0x3: {  	_ = 	snop  }
0x4: {  	_ = 	snop  }
0x5: {  	_ = 	snop  }
0x6: {  	_ = 	snop  }
0x7: {  	_ = 	snop  }
__scs_overlays_trampoline_lowered:
0x8: {  	[smem:$0x3FAE] =	sst s0  }
0x9: {  	[smem:$0x3FAF] =	sst s1  }
0xa: {  	[smem:$0x3FB0] =	sst s2  }
0xb: {  	[smem:$0x3FB1] =	sst s3  }
0xc: {  	[smem:$0x3FB2] =	sst s4  }
0xd: {  	[smem:$0x3FB3] =	sst s5  }
0xe: {  	[smem:$0x3FB4] =	sst s6  }
0xf: {  	[smem:$0x3FB5] =	sst s7  }
0x10: {  	[smem:$0x3FB6] =	sst s8  }
0x11: {  	[smem:$0x3FB7] =	sst s9;
	s0 =	simm.s32 @!p0 $0x0  }
0x12: {  	s1 =	sld [smem:$0x3F9D];
	s0 =	simm.s32 @p0 $0x1  }
0x13: {  	[smem:$0x3FB8] =	sst s0;
	s0 =	simm.s32 @!p1 $0x0  }
0x14: {  	s2 =	sld [smem:$0x3F9C];
	s0 =	simm.s32 @p1 $0x1  }
0x15: {  	[smem:$0x3FB9] =	sst s0;
	s0 =	simm.s32 @!p2 $0x0  }
0x16: {  	s3 =	sld [smem:$0x3FDB];
	s0 =	simm.s32 @p2 $0x1  }
0x17: {  	s4 =	simm.s32 $0x1BF5;
	[smem:$0x3FBB] =	sst s0  }
0x18: {  	s0 =	sld [smem:$0x3F9E];
	_ =	swait.ge [sflag:s4], $0x0  }
0x19: {  	s7 =	sld [smem:$0x3F9F]  }
0x1a: {  	s8 =	sadd.s32 $0xFFFFE003, lr  }
0x1b: {  	s9 =	sadd.s32 $0xFFFFFEF7, lr;
	s5 =	simm.s32 $0xFFFFFFFF;
	p2 =	slt.u32 s8, $0xFFFFF086  }
0x1c: {  	p1 =	slt.u32 s9, $0xF7A;
	s5 =	simm.s32 @!p2 $0x0  }
0x1d: {  	s5 =	simm.s32 @p1 $0x1;
	p0 =	seq.s32 s7, s2  }
0x1e: {  	s7 =	smul.u32 @!p0 $0xF7A, s2;
	p2 =	seq.s32 @!p0 s5, $0x0  }
0x1f: {  	s9 =	smul.u32 $0xF7A, s1;
	s8 =	simm.s32 @!p0 $0x1BF5;
	p2 =	por !p2, p0  }
0x20: {  	[sflag:s8] =	ssyncset.s32 @!p0 $0xFFFFF086;
	s6 =	sadd.s32 @!p0 s3, s7;
	s7 =	simm.s32 @!p0 $0x108  }
0x21: {  	s3 =	sadd.s32 s3, s9;
	s6 =	sadd.s32 @!p0 $0x88, s6;
	s7 =	simm.s32 @p2 $0x1082  }
0x22: {  	[simem:s7], [sflag:s8] =	dma.local @!p0 [hbm:s6], $0xF7A  }
0x23: {  	s9 =	sor.u32 $0xD0000000, s2;
	s6 =	simm.s32 $0x108;
	_ =	swait.ge @!p0 [sflag:s8], $0x0  }
0x24: {  	s3 =	sadd.s32 $0x88, s3;
	s6 =	simm.s32 @!p1 $0x1082;
	[sflag:s4] =	ssyncset.s32 $0xFFFFF086  }
0x25: {  	[simem:s6], [sflag:s4] =	dma.local [hbm:s3], $0xF7A  }
0x26: {  	[smem:$0x3F9F] =	sst s1;
	(tag) =	ssettag s2;
	_ =	strace s9  }
0x27: {  	s1 =	sld [smem:$0x3FAF]  }
0x28: {  	s2 =	sld [smem:$0x3FB0]  }
0x29: {  	s4 =	sld [smem:$0x3FB2]  }
0x2a: {  	p0 =	seq.s32 s5, $0x0;
	s5 =	sld [smem:$0x3FB3]  }
0x2b: {  	s6 =	sld [smem:$0x3FB4]  }
0x2c: {  	s7 =	sld [smem:$0x3FB5]  }
0x2d: {  	s3 =	simm.s32 $0x108;
	s8 =	sld [smem:$0x3FB6]  }
0x2e: {  	s3 =	simm.s32 @!p0 $0x1082;
	s9 =	sld [smem:$0x3FB7]  }
0x2f: {  	lr =	sadd.s32 s0, s3;
	s0 =	sld [smem:$0x3FAE]  }
0x30: {  	s3 =	sld [smem:$0x3FB1]  }
0x31: {  	[smem:$0x3FBA] =	sst s10  }
0x32: {  	s10 =	sld [smem:$0x3FB8];
	_ =	sdelay $0x3  }
0x33: {  	p0 =	seq.s32 s10, $0x1;
	s10 =	sld [smem:$0x3FBA];
	_ =	sdelay $0x3  }
0x34: {  	[smem:$0x3FBA] =	sst s10  }
0x35: {  	s10 =	sld [smem:$0x3FB9];
	_ =	sdelay $0x3  }
0x36: {  	p1 =	seq.s32 s10, $0x1;
	s10 =	sld [smem:$0x3FBA];
	_ =	sdelay $0x3  }
0x37: {  	[smem:$0x3FBA] =	sst s10  }
0x38: {  	s10 =	sld [smem:$0x3FBB]  }
0x39: {  	_ = 	snop;
	(pc) =	sbr.ind lr, $3  }
0x3a: {  	_ = 	snop  }
0x3b: {  	_ = 	snop  }
0x3c: {  	p2 =	seq.s32 s10, $0x1;
	s10 =	sld [smem:$0x3FBA]  }
0x3d: {  	_ =	shalt  }
0x3e: {  	_ =	shalt  }
0x3f: {  	_ =	shalt  }
0x40: {  	_ =	shalt  }
0x41: {  	_ =	shalt  }
0x42: {  	_ =	shalt  }
0x43: {  	_ =	shalt  }
0x44: {  	_ =	shalt  }
0x45: {  	_ =	shalt  }
0x46: {  	_ =	shalt  }
0x47: {  	_ =	shalt  }
0x48: {  	_ =	shalt  }
0x49: {  	_ =	shalt  }
0x4a: {  	_ =	shalt  }
0x4b: {  	_ =	shalt  }
0x4c: {  	_ =	shalt  }
0x4d: {  	_ =	shalt  }
0x4e: {  	_ =	shalt  }
0x4f: {  	_ =	shalt  }
0x50: {  	_ =	shalt  }
0x51: {  	_ =	shalt  }
0x52: {  	_ =	shalt  }
0x53: {  	_ =	shalt  }
0x54: {  	_ =	shalt  }
0x55: {  	_ =	shalt  }
0x56: {  	_ =	shalt  }
0x57: {  	_ =	shalt  }
0x58: {  	_ =	shalt  }
0x59: {  	_ =	shalt  }
0x5a: {  	_ =	shalt  }
0x5b: {  	_ =	shalt  }
0x5c: {  	_ =	shalt  }
0x5d: {  	_ =	shalt  }
0x5e: {  	_ =	shalt  }
0x5f: {  	_ =	shalt  }
0x60: {  	_ =	shalt  }
0x61: {  	_ =	shalt  }
0x62: {  	_ =	shalt  }
0x63: {  	_ =	shalt  }
0x64: {  	_ =	shalt  }
0x65: {  	_ =	shalt  }
0x66: {  	_ =	shalt  }
0x67: {  	_ =	shalt  }
0x68: {  	_ =	shalt  }
0x69: {  	_ =	shalt  }
0x6a: {  	_ =	shalt  }
0x6b: {  	_ =	shalt  }
0x6c: {  	_ =	shalt  }
0x6d: {  	_ =	shalt  }
0x6e: {  	_ =	shalt  }
0x6f: {  	_ =	shalt  }
0x70: {  	_ =	shalt  }
0x71: {  	_ =	shalt  }
0x72: {  	_ =	shalt  }
0x73: {  	_ =	shalt  }
0x74: {  	_ =	shalt  }
0x75: {  	_ =	shalt  }
0x76: {  	_ =	shalt  }
0x77: {  	_ =	shalt  }
0x78: {  	_ =	shalt  }
0x79: {  	_ =	shalt  }
0x7a: {  	_ =	shalt  }
0x7b: {  	_ =	shalt  }
0x7c: {  	_ =	shalt  }
0x7d: {  	_ =	shalt  }
0x7e: {  	_ =	shalt  }
0x7f: {  	_ =	shalt  }
0x80: {  	_ =	shalt  }
0x81: {  	_ =	shalt  }
0x82: {  	_ =	shalt  }
0x83: {  	_ =	shalt  }
0x84: {  	_ =	shalt  }
0x85: {  	_ =	shalt  }
0x86: {  	_ =	shalt  }
0x87: {  	_ =	shalt  }
.Lfunc_end0:
.L_simem_size_0:
called_computation_lowered:
.L_overlay_start_0:
0x88: {  	s2 =	sld [smem:$0x3FD9]  }
0x89: {  	s3 =	sld [smem:$0x3FFE];
	_ =	sdelay $0x1  }
0x8a: {  	s1 =	srdreg.scid  }
0x8b: {  	s0 =	sand.u32 $0x1, s1  }
0x8c: {  	s17 =	sshll.u32 s0, $0xA;
	s2 =	sadd.s32 s3, s2  }
0x8d: {  	s2 =	sadd.s32 s2, s17  }
0x8e: {  	[smem:$0x3FC6] =	sst s2  }
0x8f: {  	_ = 	snop  }
0x90: {  	s2 =	sld [smem:$0x3FC9]  }
0x91: {  	s18 =	sld [smem:$0x3FC8];
	(tm) =	ssettm $0x1  }
0x92: {  	s4 =	sld [smem:$0x3FFB];
	_ =	sdelay $0x3  }
0x93: {  	_ =	strace s4  }
0x94: {  	s4 =	sld [smem:$0x3FFC];
	_ =	sdelay $0x3  }
0x95: {  	_ =	strace s4  }
0x96: {  	s4 =	sld [smem:$0x3FFD];
	_ =	sdelay $0x3  }
0x97: {  	_ =	strace s4  }
0x98: {  	_ =	strace $0x8FFFFFFF  }
0x99: {  	s19 =	sld [smem:$0x3FDB];
	_ =	sdelay $0x1  }
0x9a: {  	s5 =	simm.s32 $_scs_section_size  }
0x9b: {  	s6 =	simm.s32 $_size__tile_overlayer_lowered;
	s7 =	simm.s32 $_tile_overlayer_lowered  }
0x9c: {  	s22 =	simm.s32 $0x1BFF;
	s21 =	sshll.u32 s7, $0x1;
	s4 =	sadd.s32 s5, s19  }
0x9d: {  	s8 =	simm.s32 $0x0;
	s20 =	sshll.u32 s6, $0x1;
	s6 =	sadd.s32 s21, s4  }
0x9e: {  	[timem:s8], [sflag:s22] =	dma.local [hbm:s6], s20  }
0x9f: {  	_ =	swait.ge [sflag:s22], s20  }
0xa0: {  	s5 =	ssub.s32 $0x0, s20;
	[sflag:s22] =	ssyncset.done $0x0  }
0xa1: {  	[sflag:s22] =	ssyncadd.s32 s5;
	_ =	sdelay $0x1  }
0xa2: {  	s23 =	simm.s32 $0x1B8B  }
0xa3: {  	_ =	swait.ge [sflag:s23], $0x1  }
0xa4: {  	[sflag:s23] =	ssyncset.done $0x0  }
0xa5: {  	s25 =	simm.s32 $0x1B8E;
	s24 =	sld [smem:$0x3FFE];
	[sflag:s23] =	ssyncadd.s32 $0xFFFFFFFF  }
0xa6: {  	s26 =	simm.s32 $execute0_lowered;
	[smem:$0x3FD2] =	sst s25  }
0xa7: {  	s6 =	sshll.u32 s26, $0x1;
	_ =	strace $0x80000046;
	[dreg:$0x1] =	wrdreg $0xFFFFFFFF  }
0xa8: {  	s28 =	simm.s32 $_size_execute0_lowered;
	s4 =	sadd.s32 s4, s6;
	[dreg:$0x0] =	wrdreg $0x0  }
0xa9: {  	s6 =	sshll.u32 s28, $0x1;
	[dreg:$0x2] =	wrdreg s4  }
0xaa: {  	[dreg:$0x3] =	wrdreg s6  }
0xab: {  	[dreg:$0x4] =	wrdreg $0xC0  }
0xac: {  	_ =	task [dreg:s8], $0x5FFFF  }
0xad: {  	[dreg:$0x1] =	wrdreg $0xFFFFFFFF  }
0xae: {  	[dreg:$0x0] =	wrdreg $0x60  }
0xaf: {  	[dreg:$0x2] =	wrdreg s2  }
0xb0: {  	[dreg:$0x3] =	wrdreg s18  }
0xb1: {  	[dreg:$0x4] =	wrdreg s24  }
0xb2: {  	[dreg:$0x5] =	wrdreg $0x9  }
0xb3: {  	_ =	task.clear_ibuf [dreg:s8], $0x6FFFF;
	_ =	strace $0x90000046  }
0xb4: {  	s29 =	simm.s32 $0x9;
	_ =	strace $0x80000048  }
0xb5: {  	_ =	swait.ge [sflag:s29], $0x1  }
0xb6: {  	[sflag:s29] =	ssyncadd.s32 $0xFFFFFFFF  }
0xb7: {  	_ =	strace $0x90000048  }
0xb8: {  	_ =	sfence  }
0xb9: {  	s30 =	sld [smem:$0x0];
	_ =	sdelay $0x2  }
0xba: {  	s31 =	sshll.u32 s1, $0xD;
	s1 =	sshrl.u32 s1, $0x2  }
0xbb: {  	s3 =	sand.u32 $0x4000, s31;
	s1 =	sadd.s32 s1, s30  }
0xbc: {  	s0 =	sor.u32 s3, s0;
	s1 =	sshll.u32 s1, $0x11  }
0xbd: {  	s0 =	sor.u32 s1, s0  }
0xbe: {  	s0 =	sadd.s32 $0x8F2B, s0  }
0xbf: {  	[sflag:s0] =	ssyncadd.remote.s32 $0x1  }
0xc0: {  	_ =	sfence.sel $0xFFFF  }
0xc1: {  	[dreg:$0x0] =	wrdreg $0xFFFFFFFF;
	(pc) =	sbr.abs _section_cstart, $3  }
0xc2: {  	[dreg:$0x1] =	wrdreg $0xFFFFFFFF  }
0xc3: {  	_ =	task.clear_ibuf [dreg:s8], $0x2FFFF;
	_ =	strace $0x9FFFFFFF  }
0xc4: {  	(tm) =	ssettm $0x7FFFFFFF  }
0xc5: {  	_ =	shalt  }
tec
execute0_lowered:
.L_overlay_start_1:
0x0: {  	(tag) =	ssettag $0x1  }
0x1: {  	s1 =	rddreg [dreg:$0x0]  }
0x2: {  	s3 =	rddreg [dreg:$0x1];
	s2 =	srdreg.scid  }
0x3: {  	s0 =	stileid.u32;
	s6 =	rddreg [dreg:$0x2]  }
0x4: {  	s4 =	simm.s32 $0x0;
	s15 =	simm.s32 $0x4000;
	s16 =	simm.s32 $0x8000  }
0x5: {  	s17 =	simm.s32 $0xC000;
	s18 =	simm.s32 $0x1;
	s19 =	simm.s32 $0x2  }
0x6: {  	s20 =	simm.s32 $0x3;
	s21 =	simm.s32 $0x4;
	s22 =	simm.s32 $0x5  }
0x7: {  	s23 =	simm.s32 $0x6;
	s5 =	sand.u32 $0x1, s2;
	s7 =	sshll.u32 s0, $0x1  }
0x8: {  	s24 =	simm.s32 $0x0;
	s2 =	rddreg [dreg:$0x3];
	s9 =	sor.u32 s5, s7  }
0x9: {  	[smem:$0x7FF] =	sst s4;
	s8 =	ssub.s32 $0x2, s5;
	s7 =	smul.u32 $0x60, s9  }
0xa: {  	s6 =	sadd.s32 $0x400, s6;
	s5 =	smul.u32 $0x30000, s9;
	s29 =	sshrl.u32 s8, $0x1  }
0xb: {  	_ =	strace $0x80000047;
	s14 =	smul.u32 $0x6000, s9;
	s13 =	ssub.s32 s8, s29  }
.Ltmp0:
0xc: {  	s11 =	sadd.s32 $0x1400, s7;
	s12 =	sshrl.u32 s5, $0x3;
	(pc) =	sbr.rel .LBB2_1-.Ltmp0, $4  }
0xd: {  	s14 =	sadd.s32 s14, s6;
	s13 =	smax.u32 s13, $0x1;
	s10 =	sshll.u32 s11, $0x8  }
0xe: {  	s30 =	sadd.s32 $0x140800, s12;
	s31 =	sshrl.u32 s11, $0x3;
	s14 =	sadd.s32 $0x800, s14  }
0xf: {  	s7 =	sadd.s32 s1, s10;
	s8 =	sadd.s32 s3, s10;
	s9 =	sadd.s32 s1, s30  }
0x10: {  	s10 =	sadd.s32 s3, s30;
	s11 =	sor.u32 $0x2, s31;
	s12 =	sor.u32 $0x3, s31  }
.LBB2_36:
0x11: {  	s24 =	sadd.s32 $0x1, s24  }
0x12: {  	_ =	swait.ge [sflag:s22], $0x4000;
	p0 =	sne.s32 s24, s13  }
.Ltmp1:
0x13: {  	[sflag:s22] =	ssyncset.done $0x0;
	(pc) =	sbr.rel @!p0 .LBB2_37-.Ltmp1, $4  }
0x14: {  	[sflag:s22] =	ssyncadd.s32 $0xFFFFC000  }
0x15: {  	_ =	swait.ge [sflag:s23], $0x4000  }
0x16: {  	[sflag:s23] =	ssyncset.done $0x0  }
0x17: {  	[sflag:s23] =	ssyncadd.s32 $0xFFFFC000  }
.LBB2_1:
0x18: {  	[tilespmem:s4], [sflag:$0x1] =	stream.linear.gather [hbm4b:s7+s4], $0x4000, $0x38;
	[tilespmem:$0x10000] =	vst v63  }
0x19: {  	_ = 	snop  }
0x1a: {  	[tilespmem:s15], [sflag:$0x2] =	stream.linear.gather [hbm4b:s8+s4], $0x4000, $0x38;
	[tilespmem:$0x10000] =	vst v63  }
0x1b: {  	_ = 	snop  }
0x1c: {  	[tilespmem:s16], [sflag:$0x3] =	stream.linear.gather [hbm4b:s9+s4], $0x4000, $0x38;
	[tilespmem:$0x10000] =	vst v63  }
0x1d: {  	s25 =	simm.s32 $0x0  }
0x1e: {  	[tilespmem:s17], [sflag:$0x4] =	stream.linear.gather [hbm4b:s10+s4], $0x4000, $0x38;
	[tilespmem:$0x10000] =	vst v63  }
.LBB2_2:
0x1f: {  	_ =	swait.ge [sflag:s18], $0x4000  }
0x20: {  	[sflag:s18] =	ssyncset.done $0x0  }
0x21: {  	[sflag:s18] =	ssyncadd.s32 $0xFFFFC000  }
0x22: {  	_ =	swait.ge [sflag:s19], $0x4000  }
0x23: {  	[sflag:s19] =	ssyncset.done $0x0  }
0x24: {  	s26 =	simm.s32 $0x0;
	[sflag:s19] =	ssyncadd.s32 $0xFFFFC000  }
0x25: {  	v0 =	vld [tilespmem:s26+$0x4070]  }
0x26: {  	v1 =	vld [tilespmem:s26+$0x4000]  }
0x27: {  	v2 =	vld [tilespmem:s26+$0x4010]  }
0x28: {  	v3 =	vld [tilespmem:s26+$0x4020]  }
0x29: {  	v4 =	vld [tilespmem:s26+$0x4030]  }
0x2a: {  	v5 =	vld [tilespmem:s26+$0x4040]  }
0x2b: {  	v6 =	vld [tilespmem:s26+$0x4050]  }
0x2c: {  	[tilespmem:s26+$0x70] =	vst.add.f32.msk $0xffff, v0  }
0x2d: {  	v0 =	vld [tilespmem:s26+$0x4060]  }
0x2e: {  	[tilespmem:s26+$0x0] =	vst.add.f32.msk $0xffff, v1  }
0x2f: {  	[tilespmem:s26+$0x10] =	vst.add.f32.msk $0xffff, v2  }
0x30: {  	[tilespmem:s26+$0x20] =	vst.add.f32.msk $0xffff, v3  }
0x31: {  	[tilespmem:s26+$0x30] =	vst.add.f32.msk $0xffff, v4  }
0x32: {  	[tilespmem:s26+$0x40] =	vst.add.f32.msk $0xffff, v5  }
0x33: {  	s28 =	simm.s32 $0x0;
	s29 =	simm.s32 $0x1000;
	[tilespmem:s26+$0x50] =	vst.add.f32.msk $0xffff, v6  }
.LBB2_3:
0x34: {  	s28 =	sadd.s32 $0x80, s28;
	[tilespmem:s26+$0x60] =	vst.add.f32.msk $0xffff, v0;
	s26 =	sshra.s32 s29, $0x2  }
0x35: {  	v0 =	vld [tilespmem:s26+$0x4070];
	p0 =	slt.u32 s28, $0x780  }
0x36: {  	v1 =	vld [tilespmem:s26+$0x4000]  }
0x37: {  	v2 =	vld [tilespmem:s26+$0x4010]  }
0x38: {  	v3 =	vld [tilespmem:s26+$0x4020]  }
0x39: {  	v4 =	vld [tilespmem:s26+$0x4030]  }
0x3a: {  	[tilespmem:s26+$0x70] =	vst.add.f32.msk $0xffff, v0  }
0x3b: {  	v5 =	vld [tilespmem:s26+$0x4040]  }
0x3c: {  	v6 =	vld [tilespmem:s26+$0x4050]  }
0x3d: {  	v0 =	vld [tilespmem:s26+$0x4060]  }
0x3e: {  	[tilespmem:s26+$0x0] =	vst.add.f32.msk $0xffff, v1  }
.Ltmp2:
0x3f: {  	[tilespmem:s26+$0x10] =	vst.add.f32.msk $0xffff, v2;
	(pc) =	sbr.rel @p0 .LBB2_3-.Ltmp2, $4  }
0x40: {  	[tilespmem:s26+$0x20] =	vst.add.f32.msk $0xffff, v3  }
0x41: {  	[tilespmem:s26+$0x30] =	vst.add.f32.msk $0xffff, v4  }
0x42: {  	[tilespmem:s26+$0x40] =	vst.add.f32.msk $0xffff, v5  }
0x43: {  	s29 =	sadd.s32 $0x1000, s29;
	[tilespmem:s26+$0x50] =	vst.add.f32.msk $0xffff, v6  }
0x44: {  	[tilespmem:s26+$0x60] =	vst.add.f32.msk $0xffff, v0;
	s26 =	simm.s32 $0x0  }
0x45: {  	v0 =	vld [tilespmem:s26+$0x40F0]  }
0x46: {  	v1 =	vld [tilespmem:s26+$0x4080]  }
0x47: {  	v2 =	vld [tilespmem:s26+$0x4090]  }
0x48: {  	v3 =	vld [tilespmem:s26+$0x40A0]  }
0x49: {  	v4 =	vld [tilespmem:s26+$0x40B0]  }
0x4a: {  	v5 =	vld [tilespmem:s26+$0x40C0]  }
0x4b: {  	v6 =	vld [tilespmem:s26+$0x40D0]  }
0x4c: {  	[tilespmem:s26+$0xF0] =	vst.add.f32.msk $0xffff, v0  }
0x4d: {  	v0 =	vld [tilespmem:s26+$0x40E0]  }
0x4e: {  	[tilespmem:s26+$0x80] =	vst.add.f32.msk $0xffff, v1  }
0x4f: {  	[tilespmem:s26+$0x90] =	vst.add.f32.msk $0xffff, v2  }
0x50: {  	[tilespmem:s26+$0xA0] =	vst.add.f32.msk $0xffff, v3  }
0x51: {  	[tilespmem:s26+$0xB0] =	vst.add.f32.msk $0xffff, v4  }
0x52: {  	[tilespmem:s26+$0xC0] =	vst.add.f32.msk $0xffff, v5  }
0x53: {  	s28 =	simm.s32 $0x0;
	s29 =	simm.s32 $0x1000;
	[tilespmem:s26+$0xD0] =	vst.add.f32.msk $0xffff, v6  }
.LBB2_5:
0x54: {  	s28 =	sadd.s32 $0x80, s28;
	[tilespmem:s26+$0xE0] =	vst.add.f32.msk $0xffff, v0;
	s26 =	sshra.s32 s29, $0x2  }
0x55: {  	v0 =	vld [tilespmem:s26+$0x40F0];
	p0 =	slt.u32 s28, $0x780  }
0x56: {  	v1 =	vld [tilespmem:s26+$0x4080]  }
0x57: {  	v2 =	vld [tilespmem:s26+$0x4090]  }
0x58: {  	v3 =	vld [tilespmem:s26+$0x40A0]  }
0x59: {  	v4 =	vld [tilespmem:s26+$0x40B0]  }
0x5a: {  	[tilespmem:s26+$0xF0] =	vst.add.f32.msk $0xffff, v0  }
0x5b: {  	v5 =	vld [tilespmem:s26+$0x40C0]  }
0x5c: {  	v6 =	vld [tilespmem:s26+$0x40D0]  }
0x5d: {  	v0 =	vld [tilespmem:s26+$0x40E0]  }
0x5e: {  	[tilespmem:s26+$0x80] =	vst.add.f32.msk $0xffff, v1  }
.Ltmp3:
0x5f: {  	[tilespmem:s26+$0x90] =	vst.add.f32.msk $0xffff, v2;
	(pc) =	sbr.rel @p0 .LBB2_5-.Ltmp3, $4  }
0x60: {  	[tilespmem:s26+$0xA0] =	vst.add.f32.msk $0xffff, v3  }
0x61: {  	[tilespmem:s26+$0xB0] =	vst.add.f32.msk $0xffff, v4  }
0x62: {  	[tilespmem:s26+$0xC0] =	vst.add.f32.msk $0xffff, v5  }
0x63: {  	s29 =	sadd.s32 $0x1000, s29;
	[tilespmem:s26+$0xD0] =	vst.add.f32.msk $0xffff, v6  }
0x64: {  	[tilespmem:s26+$0xE0] =	vst.add.f32.msk $0xffff, v0;
	s26 =	simm.s32 $0x0  }
0x65: {  	v0 =	vld [tilespmem:s26+$0x4170]  }
0x66: {  	v1 =	vld [tilespmem:s26+$0x4100]  }
0x67: {  	v2 =	vld [tilespmem:s26+$0x4110]  }
0x68: {  	v3 =	vld [tilespmem:s26+$0x4120]  }
0x69: {  	v4 =	vld [tilespmem:s26+$0x4130]  }
0x6a: {  	v5 =	vld [tilespmem:s26+$0x4140]  }
0x6b: {  	v6 =	vld [tilespmem:s26+$0x4150]  }
0x6c: {  	[tilespmem:s26+$0x170] =	vst.add.f32.msk $0xffff, v0  }
0x6d: {  	v0 =	vld [tilespmem:s26+$0x4160]  }
0x6e: {  	[tilespmem:s26+$0x100] =	vst.add.f32.msk $0xffff, v1  }
0x6f: {  	[tilespmem:s26+$0x110] =	vst.add.f32.msk $0xffff, v2  }
0x70: {  	[tilespmem:s26+$0x120] =	vst.add.f32.msk $0xffff, v3  }
0x71: {  	[tilespmem:s26+$0x130] =	vst.add.f32.msk $0xffff, v4  }
0x72: {  	[tilespmem:s26+$0x140] =	vst.add.f32.msk $0xffff, v5  }
0x73: {  	s28 =	simm.s32 $0x0;
	s29 =	simm.s32 $0x1000;
	[tilespmem:s26+$0x150] =	vst.add.f32.msk $0xffff, v6  }
.LBB2_7:
0x74: {  	s28 =	sadd.s32 $0x80, s28;
	[tilespmem:s26+$0x160] =	vst.add.f32.msk $0xffff, v0;
	s26 =	sshra.s32 s29, $0x2  }
0x75: {  	v0 =	vld [tilespmem:s26+$0x4170];
	p0 =	slt.u32 s28, $0x780  }
0x76: {  	v1 =	vld [tilespmem:s26+$0x4100]  }
0x77: {  	v2 =	vld [tilespmem:s26+$0x4110]  }
0x78: {  	v3 =	vld [tilespmem:s26+$0x4120]  }
0x79: {  	v4 =	vld [tilespmem:s26+$0x4130]  }
0x7a: {  	[tilespmem:s26+$0x170] =	vst.add.f32.msk $0xffff, v0  }
0x7b: {  	v5 =	vld [tilespmem:s26+$0x4140]  }
0x7c: {  	v6 =	vld [tilespmem:s26+$0x4150]  }
0x7d: {  	v0 =	vld [tilespmem:s26+$0x4160]  }
0x7e: {  	[tilespmem:s26+$0x100] =	vst.add.f32.msk $0xffff, v1  }
.Ltmp4:
0x7f: {  	[tilespmem:s26+$0x110] =	vst.add.f32.msk $0xffff, v2;
	(pc) =	sbr.rel @p0 .LBB2_7-.Ltmp4, $4  }
0x80: {  	[tilespmem:s26+$0x120] =	vst.add.f32.msk $0xffff, v3  }
0x81: {  	[tilespmem:s26+$0x130] =	vst.add.f32.msk $0xffff, v4  }
0x82: {  	[tilespmem:s26+$0x140] =	vst.add.f32.msk $0xffff, v5  }
0x83: {  	s29 =	sadd.s32 $0x1000, s29;
	[tilespmem:s26+$0x150] =	vst.add.f32.msk $0xffff, v6  }
0x84: {  	[tilespmem:s26+$0x160] =	vst.add.f32.msk $0xffff, v0;
	s26 =	simm.s32 $0x0  }
0x85: {  	v0 =	vld [tilespmem:s26+$0x41F0]  }
0x86: {  	v1 =	vld [tilespmem:s26+$0x4180]  }
0x87: {  	v2 =	vld [tilespmem:s26+$0x4190]  }
0x88: {  	v3 =	vld [tilespmem:s26+$0x41A0]  }
0x89: {  	v4 =	vld [tilespmem:s26+$0x41B0]  }
0x8a: {  	v5 =	vld [tilespmem:s26+$0x41C0]  }
0x8b: {  	v6 =	vld [tilespmem:s26+$0x41D0]  }
0x8c: {  	[tilespmem:s26+$0x1F0] =	vst.add.f32.msk $0xffff, v0  }
0x8d: {  	v0 =	vld [tilespmem:s26+$0x41E0]  }
0x8e: {  	[tilespmem:s26+$0x180] =	vst.add.f32.msk $0xffff, v1  }
0x8f: {  	[tilespmem:s26+$0x190] =	vst.add.f32.msk $0xffff, v2  }
0x90: {  	[tilespmem:s26+$0x1A0] =	vst.add.f32.msk $0xffff, v3  }
0x91: {  	[tilespmem:s26+$0x1B0] =	vst.add.f32.msk $0xffff, v4  }
0x92: {  	[tilespmem:s26+$0x1C0] =	vst.add.f32.msk $0xffff, v5  }
0x93: {  	s28 =	simm.s32 $0x0;
	s29 =	simm.s32 $0x1000;
	[tilespmem:s26+$0x1D0] =	vst.add.f32.msk $0xffff, v6  }
.LBB2_9:
0x94: {  	s28 =	sadd.s32 $0x80, s28;
	[tilespmem:s26+$0x1E0] =	vst.add.f32.msk $0xffff, v0;
	s26 =	sshra.s32 s29, $0x2  }
0x95: {  	v0 =	vld [tilespmem:s26+$0x41F0];
	p0 =	slt.u32 s28, $0x780  }
0x96: {  	v1 =	vld [tilespmem:s26+$0x4180]  }
0x97: {  	v2 =	vld [tilespmem:s26+$0x4190]  }
0x98: {  	v3 =	vld [tilespmem:s26+$0x41A0]  }
0x99: {  	v4 =	vld [tilespmem:s26+$0x41B0]  }
0x9a: {  	[tilespmem:s26+$0x1F0] =	vst.add.f32.msk $0xffff, v0  }
0x9b: {  	v5 =	vld [tilespmem:s26+$0x41C0]  }
0x9c: {  	v6 =	vld [tilespmem:s26+$0x41D0]  }
0x9d: {  	v0 =	vld [tilespmem:s26+$0x41E0]  }
0x9e: {  	[tilespmem:s26+$0x180] =	vst.add.f32.msk $0xffff, v1  }
.Ltmp5:
0x9f: {  	[tilespmem:s26+$0x190] =	vst.add.f32.msk $0xffff, v2;
	(pc) =	sbr.rel @p0 .LBB2_9-.Ltmp5, $4  }
0xa0: {  	[tilespmem:s26+$0x1A0] =	vst.add.f32.msk $0xffff, v3  }
0xa1: {  	[tilespmem:s26+$0x1B0] =	vst.add.f32.msk $0xffff, v4  }
0xa2: {  	[tilespmem:s26+$0x1C0] =	vst.add.f32.msk $0xffff, v5  }
0xa3: {  	s29 =	sadd.s32 $0x1000, s29;
	[tilespmem:s26+$0x1D0] =	vst.add.f32.msk $0xffff, v6  }
0xa4: {  	[tilespmem:s26+$0x1E0] =	vst.add.f32.msk $0xffff, v0;
	s26 =	simm.s32 $0x0  }
0xa5: {  	v0 =	vld [tilespmem:s26+$0x4270]  }
0xa6: {  	v1 =	vld [tilespmem:s26+$0x4200]  }
0xa7: {  	v2 =	vld [tilespmem:s26+$0x4210]  }
0xa8: {  	v3 =	vld [tilespmem:s26+$0x4220]  }
0xa9: {  	v4 =	vld [tilespmem:s26+$0x4230]  }
0xaa: {  	v5 =	vld [tilespmem:s26+$0x4240]  }
0xab: {  	v6 =	vld [tilespmem:s26+$0x4250]  }
0xac: {  	[tilespmem:s26+$0x270] =	vst.add.f32.msk $0xffff, v0  }
0xad: {  	v0 =	vld [tilespmem:s26+$0x4260]  }
0xae: {  	[tilespmem:s26+$0x200] =	vst.add.f32.msk $0xffff, v1  }
0xaf: {  	[tilespmem:s26+$0x210] =	vst.add.f32.msk $0xffff, v2  }
0xb0: {  	[tilespmem:s26+$0x220] =	vst.add.f32.msk $0xffff, v3  }
0xb1: {  	[tilespmem:s26+$0x230] =	vst.add.f32.msk $0xffff, v4  }
0xb2: {  	[tilespmem:s26+$0x240] =	vst.add.f32.msk $0xffff, v5  }
0xb3: {  	s28 =	simm.s32 $0x0;
	s29 =	simm.s32 $0x1000;
	[tilespmem:s26+$0x250] =	vst.add.f32.msk $0xffff, v6  }
.LBB2_11:
0xb4: {  	s28 =	sadd.s32 $0x80, s28;
	[tilespmem:s26+$0x260] =	vst.add.f32.msk $0xffff, v0;
	s26 =	sshra.s32 s29, $0x2  }
0xb5: {  	v0 =	vld [tilespmem:s26+$0x4270];
	p0 =	slt.u32 s28, $0x780  }
0xb6: {  	v1 =	vld [tilespmem:s26+$0x4200]  }
0xb7: {  	v2 =	vld [tilespmem:s26+$0x4210]  }
0xb8: {  	v3 =	vld [tilespmem:s26+$0x4220]  }
0xb9: {  	v4 =	vld [tilespmem:s26+$0x4230]  }
0xba: {  	[tilespmem:s26+$0x270] =	vst.add.f32.msk $0xffff, v0  }
0xbb: {  	v5 =	vld [tilespmem:s26+$0x4240]  }
0xbc: {  	v6 =	vld [tilespmem:s26+$0x4250]  }
0xbd: {  	v0 =	vld [tilespmem:s26+$0x4260]  }
0xbe: {  	[tilespmem:s26+$0x200] =	vst.add.f32.msk $0xffff, v1  }
.Ltmp6:
0xbf: {  	[tilespmem:s26+$0x210] =	vst.add.f32.msk $0xffff, v2;
	(pc) =	sbr.rel @p0 .LBB2_11-.Ltmp6, $4  }
0xc0: {  	[tilespmem:s26+$0x220] =	vst.add.f32.msk $0xffff, v3  }
0xc1: {  	[tilespmem:s26+$0x230] =	vst.add.f32.msk $0xffff, v4  }
0xc2: {  	[tilespmem:s26+$0x240] =	vst.add.f32.msk $0xffff, v5  }
0xc3: {  	s29 =	sadd.s32 $0x1000, s29;
	[tilespmem:s26+$0x250] =	vst.add.f32.msk $0xffff, v6  }
0xc4: {  	[tilespmem:s26+$0x260] =	vst.add.f32.msk $0xffff, v0;
	s26 =	simm.s32 $0x0  }
0xc5: {  	v0 =	vld [tilespmem:s26+$0x42F0]  }
0xc6: {  	v1 =	vld [tilespmem:s26+$0x4280]  }
0xc7: {  	v2 =	vld [tilespmem:s26+$0x4290]  }
0xc8: {  	v3 =	vld [tilespmem:s26+$0x42A0]  }
0xc9: {  	v4 =	vld [tilespmem:s26+$0x42B0]  }
0xca: {  	v5 =	vld [tilespmem:s26+$0x42C0]  }
0xcb: {  	v6 =	vld [tilespmem:s26+$0x42D0]  }
0xcc: {  	[tilespmem:s26+$0x2F0] =	vst.add.f32.msk $0xffff, v0  }
0xcd: {  	v0 =	vld [tilespmem:s26+$0x42E0]  }
0xce: {  	[tilespmem:s26+$0x280] =	vst.add.f32.msk $0xffff, v1  }
0xcf: {  	[tilespmem:s26+$0x290] =	vst.add.f32.msk $0xffff, v2  }
0xd0: {  	[tilespmem:s26+$0x2A0] =	vst.add.f32.msk $0xffff, v3  }
0xd1: {  	[tilespmem:s26+$0x2B0] =	vst.add.f32.msk $0xffff, v4  }
0xd2: {  	[tilespmem:s26+$0x2C0] =	vst.add.f32.msk $0xffff, v5  }
0xd3: {  	s28 =	simm.s32 $0x0;
	s29 =	simm.s32 $0x1000;
	[tilespmem:s26+$0x2D0] =	vst.add.f32.msk $0xffff, v6  }
.LBB2_13:
0xd4: {  	s28 =	sadd.s32 $0x80, s28;
	[tilespmem:s26+$0x2E0] =	vst.add.f32.msk $0xffff, v0;
	s26 =	sshra.s32 s29, $0x2  }
0xd5: {  	v0 =	vld [tilespmem:s26+$0x42F0];
	p0 =	slt.u32 s28, $0x780  }
0xd6: {  	v1 =	vld [tilespmem:s26+$0x4280]  }
0xd7: {  	v2 =	vld [tilespmem:s26+$0x4290]  }
0xd8: {  	v3 =	vld [tilespmem:s26+$0x42A0]  }
0xd9: {  	v4 =	vld [tilespmem:s26+$0x42B0]  }
0xda: {  	[tilespmem:s26+$0x2F0] =	vst.add.f32.msk $0xffff, v0  }
0xdb: {  	v5 =	vld [tilespmem:s26+$0x42C0]  }
0xdc: {  	v6 =	vld [tilespmem:s26+$0x42D0]  }
0xdd: {  	v0 =	vld [tilespmem:s26+$0x42E0]  }
0xde: {  	[tilespmem:s26+$0x280] =	vst.add.f32.msk $0xffff, v1  }
.Ltmp7:
0xdf: {  	[tilespmem:s26+$0x290] =	vst.add.f32.msk $0xffff, v2;
	(pc) =	sbr.rel @p0 .LBB2_13-.Ltmp7, $4  }
0xe0: {  	[tilespmem:s26+$0x2A0] =	vst.add.f32.msk $0xffff, v3  }
0xe1: {  	[tilespmem:s26+$0x2B0] =	vst.add.f32.msk $0xffff, v4  }
0xe2: {  	[tilespmem:s26+$0x2C0] =	vst.add.f32.msk $0xffff, v5  }
0xe3: {  	s29 =	sadd.s32 $0x1000, s29;
	[tilespmem:s26+$0x2D0] =	vst.add.f32.msk $0xffff, v6  }
0xe4: {  	[tilespmem:s26+$0x2E0] =	vst.add.f32.msk $0xffff, v0;
	s26 =	simm.s32 $0x0  }
0xe5: {  	v0 =	vld [tilespmem:s26+$0x4370]  }
0xe6: {  	v1 =	vld [tilespmem:s26+$0x4300]  }
0xe7: {  	v2 =	vld [tilespmem:s26+$0x4310]  }
0xe8: {  	v3 =	vld [tilespmem:s26+$0x4320]  }
0xe9: {  	v4 =	vld [tilespmem:s26+$0x4330]  }
0xea: {  	v5 =	vld [tilespmem:s26+$0x4340]  }
0xeb: {  	v6 =	vld [tilespmem:s26+$0x4350]  }
0xec: {  	[tilespmem:s26+$0x370] =	vst.add.f32.msk $0xffff, v0  }
0xed: {  	v0 =	vld [tilespmem:s26+$0x4360]  }
0xee: {  	[tilespmem:s26+$0x300] =	vst.add.f32.msk $0xffff, v1  }
0xef: {  	[tilespmem:s26+$0x310] =	vst.add.f32.msk $0xffff, v2  }
0xf0: {  	[tilespmem:s26+$0x320] =	vst.add.f32.msk $0xffff, v3  }
0xf1: {  	[tilespmem:s26+$0x330] =	vst.add.f32.msk $0xffff, v4  }
0xf2: {  	[tilespmem:s26+$0x340] =	vst.add.f32.msk $0xffff, v5  }
0xf3: {  	s28 =	simm.s32 $0x0;
	s29 =	simm.s32 $0x1000;
	[tilespmem:s26+$0x350] =	vst.add.f32.msk $0xffff, v6  }
.LBB2_15:
0xf4: {  	s28 =	sadd.s32 $0x80, s28;
	[tilespmem:s26+$0x360] =	vst.add.f32.msk $0xffff, v0;
	s26 =	sshra.s32 s29, $0x2  }
0xf5: {  	v0 =	vld [tilespmem:s26+$0x4370];
	p0 =	slt.u32 s28, $0x780  }
0xf6: {  	v1 =	vld [tilespmem:s26+$0x4300]  }
0xf7: {  	v2 =	vld [tilespmem:s26+$0x4310]  }
0xf8: {  	v3 =	vld [tilespmem:s26+$0x4320]  }
0xf9: {  	v4 =	vld [tilespmem:s26+$0x4330]  }
0xfa: {  	[tilespmem:s26+$0x370] =	vst.add.f32.msk $0xffff, v0  }
0xfb: {  	v5 =	vld [tilespmem:s26+$0x4340]  }
0xfc: {  	v6 =	vld [tilespmem:s26+$0x4350]  }
0xfd: {  	v0 =	vld [tilespmem:s26+$0x4360]  }
0xfe: {  	[tilespmem:s26+$0x300] =	vst.add.f32.msk $0xffff, v1  }
.Ltmp8:
0xff: {  	[tilespmem:s26+$0x310] =	vst.add.f32.msk $0xffff, v2;
	(pc) =	sbr.rel @p0 .LBB2_15-.Ltmp8, $4  }
0x100: {  	[tilespmem:s26+$0x320] =	vst.add.f32.msk $0xffff, v3  }
0x101: {  	[tilespmem:s26+$0x330] =	vst.add.f32.msk $0xffff, v4  }
0x102: {  	[tilespmem:s26+$0x340] =	vst.add.f32.msk $0xffff, v5  }
0x103: {  	s29 =	sadd.s32 $0x1000, s29;
	[tilespmem:s26+$0x350] =	vst.add.f32.msk $0xffff, v6  }
0x104: {  	[tilespmem:s26+$0x360] =	vst.add.f32.msk $0xffff, v0;
	s26 =	simm.s32 $0x0  }
0x105: {  	v0 =	vld [tilespmem:s26+$0x43F0]  }
0x106: {  	v1 =	vld [tilespmem:s26+$0x4380]  }
0x107: {  	v2 =	vld [tilespmem:s26+$0x4390]  }
0x108: {  	v3 =	vld [tilespmem:s26+$0x43A0]  }
0x109: {  	v4 =	vld [tilespmem:s26+$0x43B0]  }
0x10a: {  	v5 =	vld [tilespmem:s26+$0x43C0]  }
0x10b: {  	v6 =	vld [tilespmem:s26+$0x43D0]  }
0x10c: {  	[tilespmem:s26+$0x3F0] =	vst.add.f32.msk $0xffff, v0  }
0x10d: {  	v0 =	vld [tilespmem:s26+$0x43E0]  }
0x10e: {  	[tilespmem:s26+$0x380] =	vst.add.f32.msk $0xffff, v1  }
0x10f: {  	[tilespmem:s26+$0x390] =	vst.add.f32.msk $0xffff, v2  }
0x110: {  	[tilespmem:s26+$0x3A0] =	vst.add.f32.msk $0xffff, v3  }
0x111: {  	[tilespmem:s26+$0x3B0] =	vst.add.f32.msk $0xffff, v4  }
0x112: {  	[tilespmem:s26+$0x3C0] =	vst.add.f32.msk $0xffff, v5  }
0x113: {  	s28 =	simm.s32 $0x0;
	s29 =	simm.s32 $0x1000;
	[tilespmem:s26+$0x3D0] =	vst.add.f32.msk $0xffff, v6  }
.LBB2_17:
0x114: {  	s28 =	sadd.s32 $0x80, s28;
	[tilespmem:s26+$0x3E0] =	vst.add.f32.msk $0xffff, v0;
	s26 =	sshra.s32 s29, $0x2  }
0x115: {  	v0 =	vld [tilespmem:s26+$0x43F0];
	p0 =	slt.u32 s28, $0x780  }
0x116: {  	v1 =	vld [tilespmem:s26+$0x4380]  }
0x117: {  	v2 =	vld [tilespmem:s26+$0x4390]  }
0x118: {  	v3 =	vld [tilespmem:s26+$0x43A0]  }
0x119: {  	v4 =	vld [tilespmem:s26+$0x43B0]  }
0x11a: {  	[tilespmem:s26+$0x3F0] =	vst.add.f32.msk $0xffff, v0  }
0x11b: {  	v5 =	vld [tilespmem:s26+$0x43C0]  }
0x11c: {  	v6 =	vld [tilespmem:s26+$0x43D0]  }
0x11d: {  	v0 =	vld [tilespmem:s26+$0x43E0]  }
0x11e: {  	[tilespmem:s26+$0x380] =	vst.add.f32.msk $0xffff, v1  }
.Ltmp9:
0x11f: {  	[tilespmem:s26+$0x390] =	vst.add.f32.msk $0xffff, v2;
	(pc) =	sbr.rel @p0 .LBB2_17-.Ltmp9, $4  }
0x120: {  	[tilespmem:s26+$0x3A0] =	vst.add.f32.msk $0xffff, v3  }
0x121: {  	[tilespmem:s26+$0x3B0] =	vst.add.f32.msk $0xffff, v4  }
0x122: {  	[tilespmem:s26+$0x3C0] =	vst.add.f32.msk $0xffff, v5  }
0x123: {  	s29 =	sadd.s32 $0x1000, s29;
	[tilespmem:s26+$0x3D0] =	vst.add.f32.msk $0xffff, v6  }
0x124: {  	s28 =	sshll.u32 s25, $0xF  }
0x125: {  	s28 =	sadd.s32 s5, s28  }
0x126: {  	[tilespmem:s26+$0x3E0] =	vst.add.f32.msk $0xffff, v0;
	s26 =	sshll.u32 s25, $0x1;
	p0 =	seq.s32 s25, $0x5;
	s28 =	sshrl.u32 s28, $0x3  }
0x127: {  	s29 =	sadd.s32 @!p0 s26, s11;
	s31 =	sadd.s32 s6, s28;
	s28 =	simm.s32 @!p0 $0x5  }
0x128: {  	[hbm4b:s31+s4] =	stream.linear.scatter [tilespmem:s4], [sflag:$0x5], $0x4000, $0x38;
	[tilespmem:$0x10000] =	vst v63  }
0x129: {  	s29 =	sshll.u32 @!p0 s29, $0xB;
	_ =	swait.ge @!p0 [sflag:s28], $0x4000  }
0x12a: {  	s29 =	sand.u32 @!p0 $0x1FFFF000, s29;
	[sflag:s28] =	ssyncset.done @!p0 $0x0  }
0x12b: {  	s30 =	simm.s32 @!p0 $0x0;
	[sflag:s28] =	ssyncadd.s32 @!p0 $0xFFFFC000;
	s28 =	sadd.s32 @!p0 s1, s29  }
0x12c: {  	[tilespmem:s30], [sflag:$0x1] =	stream.linear.gather @!p0 [hbm4b:s28+s30], $0x4000, $0x38;
	[tilespmem:$0x10000] =	vst v63  }
0x12d: {  	s28 =	sadd.s32 @!p0 s3, s29;
	s29 =	simm.s32 @!p0 $0x4000  }
0x12e: {  	[tilespmem:s29], [sflag:$0x2] =	stream.linear.gather @!p0 [hbm4b:s28+s30], $0x4000, $0x38;
	[tilespmem:$0x10000] =	vst v63  }
0x12f: {  	_ =	swait.ge [sflag:s20], $0x4000  }
0x130: {  	[sflag:s20] =	ssyncset.done $0x0  }
0x131: {  	[sflag:s20] =	ssyncadd.s32 $0xFFFFC000  }
0x132: {  	_ =	swait.ge [sflag:s21], $0x4000  }
0x133: {  	[sflag:s21] =	ssyncset.done $0x0  }
0x134: {  	s28 =	simm.s32 $0x0;
	[sflag:s21] =	ssyncadd.s32 $0xFFFFC000  }
0x135: {  	v0 =	vld [tilespmem:s28+$0xC070]  }
0x136: {  	v1 =	vld [tilespmem:s28+$0xC000]  }
0x137: {  	v2 =	vld [tilespmem:s28+$0xC010]  }
0x138: {  	v3 =	vld [tilespmem:s28+$0xC020]  }
0x139: {  	v4 =	vld [tilespmem:s28+$0xC030]  }
0x13a: {  	v5 =	vld [tilespmem:s28+$0xC040]  }
0x13b: {  	v6 =	vld [tilespmem:s28+$0xC050]  }
0x13c: {  	[tilespmem:s28+$0x8070] =	vst.add.f32.msk $0xffff, v0  }
0x13d: {  	v0 =	vld [tilespmem:s28+$0xC060]  }
0x13e: {  	[tilespmem:s28+$0x8000] =	vst.add.f32.msk $0xffff, v1  }
0x13f: {  	[tilespmem:s28+$0x8010] =	vst.add.f32.msk $0xffff, v2  }
0x140: {  	[tilespmem:s28+$0x8020] =	vst.add.f32.msk $0xffff, v3  }
0x141: {  	[tilespmem:s28+$0x8030] =	vst.add.f32.msk $0xffff, v4  }
0x142: {  	[tilespmem:s28+$0x8040] =	vst.add.f32.msk $0xffff, v5  }
0x143: {  	s29 =	simm.s32 $0x0;
	s30 =	simm.s32 $0x1000;
	[tilespmem:s28+$0x8050] =	vst.add.f32.msk $0xffff, v6  }
.LBB2_19:
0x144: {  	s29 =	sadd.s32 $0x80, s29;
	[tilespmem:s28+$0x8060] =	vst.add.f32.msk $0xffff, v0;
	s28 =	sshra.s32 s30, $0x2  }
0x145: {  	v0 =	vld [tilespmem:s28+$0xC070];
	p1 =	slt.u32 s29, $0x780  }
0x146: {  	v1 =	vld [tilespmem:s28+$0xC000]  }
0x147: {  	v2 =	vld [tilespmem:s28+$0xC010]  }
0x148: {  	v3 =	vld [tilespmem:s28+$0xC020]  }
0x149: {  	v4 =	vld [tilespmem:s28+$0xC030]  }
0x14a: {  	[tilespmem:s28+$0x8070] =	vst.add.f32.msk $0xffff, v0  }
0x14b: {  	v5 =	vld [tilespmem:s28+$0xC040]  }
0x14c: {  	v6 =	vld [tilespmem:s28+$0xC050]  }
0x14d: {  	v0 =	vld [tilespmem:s28+$0xC060]  }
0x14e: {  	[tilespmem:s28+$0x8000] =	vst.add.f32.msk $0xffff, v1  }
.Ltmp10:
0x14f: {  	[tilespmem:s28+$0x8010] =	vst.add.f32.msk $0xffff, v2;
	(pc) =	sbr.rel @p1 .LBB2_19-.Ltmp10, $4  }
0x150: {  	[tilespmem:s28+$0x8020] =	vst.add.f32.msk $0xffff, v3  }
0x151: {  	[tilespmem:s28+$0x8030] =	vst.add.f32.msk $0xffff, v4  }
0x152: {  	[tilespmem:s28+$0x8040] =	vst.add.f32.msk $0xffff, v5  }
0x153: {  	s30 =	sadd.s32 $0x1000, s30;
	[tilespmem:s28+$0x8050] =	vst.add.f32.msk $0xffff, v6  }
0x154: {  	[tilespmem:s28+$0x8060] =	vst.add.f32.msk $0xffff, v0;
	s28 =	simm.s32 $0x0  }
0x155: {  	v0 =	vld [tilespmem:s28+$0xC0F0]  }
0x156: {  	v1 =	vld [tilespmem:s28+$0xC080]  }
0x157: {  	v2 =	vld [tilespmem:s28+$0xC090]  }
0x158: {  	v3 =	vld [tilespmem:s28+$0xC0A0]  }
0x159: {  	v4 =	vld [tilespmem:s28+$0xC0B0]  }
0x15a: {  	v5 =	vld [tilespmem:s28+$0xC0C0]  }
0x15b: {  	v6 =	vld [tilespmem:s28+$0xC0D0]  }
0x15c: {  	[tilespmem:s28+$0x80F0] =	vst.add.f32.msk $0xffff, v0  }
0x15d: {  	v0 =	vld [tilespmem:s28+$0xC0E0]  }
0x15e: {  	[tilespmem:s28+$0x8080] =	vst.add.f32.msk $0xffff, v1  }
0x15f: {  	[tilespmem:s28+$0x8090] =	vst.add.f32.msk $0xffff, v2  }
0x160: {  	[tilespmem:s28+$0x80A0] =	vst.add.f32.msk $0xffff, v3  }
0x161: {  	[tilespmem:s28+$0x80B0] =	vst.add.f32.msk $0xffff, v4  }
0x162: {  	[tilespmem:s28+$0x80C0] =	vst.add.f32.msk $0xffff, v5  }
0x163: {  	s29 =	simm.s32 $0x0;
	s30 =	simm.s32 $0x1000;
	[tilespmem:s28+$0x80D0] =	vst.add.f32.msk $0xffff, v6  }
.LBB2_21:
0x164: {  	s29 =	sadd.s32 $0x80, s29;
	[tilespmem:s28+$0x80E0] =	vst.add.f32.msk $0xffff, v0;
	s28 =	sshra.s32 s30, $0x2  }
0x165: {  	v0 =	vld [tilespmem:s28+$0xC0F0];
	p1 =	slt.u32 s29, $0x780  }
0x166: {  	v1 =	vld [tilespmem:s28+$0xC080]  }
0x167: {  	v2 =	vld [tilespmem:s28+$0xC090]  }
0x168: {  	v3 =	vld [tilespmem:s28+$0xC0A0]  }
0x169: {  	v4 =	vld [tilespmem:s28+$0xC0B0]  }
0x16a: {  	[tilespmem:s28+$0x80F0] =	vst.add.f32.msk $0xffff, v0  }
0x16b: {  	v5 =	vld [tilespmem:s28+$0xC0C0]  }
0x16c: {  	v6 =	vld [tilespmem:s28+$0xC0D0]  }
0x16d: {  	v0 =	vld [tilespmem:s28+$0xC0E0]  }
0x16e: {  	[tilespmem:s28+$0x8080] =	vst.add.f32.msk $0xffff, v1  }
.Ltmp11:
0x16f: {  	[tilespmem:s28+$0x8090] =	vst.add.f32.msk $0xffff, v2;
	(pc) =	sbr.rel @p1 .LBB2_21-.Ltmp11, $4  }
0x170: {  	[tilespmem:s28+$0x80A0] =	vst.add.f32.msk $0xffff, v3  }
0x171: {  	[tilespmem:s28+$0x80B0] =	vst.add.f32.msk $0xffff, v4  }
0x172: {  	[tilespmem:s28+$0x80C0] =	vst.add.f32.msk $0xffff, v5  }
0x173: {  	s30 =	sadd.s32 $0x1000, s30;
	[tilespmem:s28+$0x80D0] =	vst.add.f32.msk $0xffff, v6  }
0x174: {  	[tilespmem:s28+$0x80E0] =	vst.add.f32.msk $0xffff, v0;
	s28 =	simm.s32 $0x0  }
0x175: {  	v0 =	vld [tilespmem:s28+$0xC170]  }
0x176: {  	v1 =	vld [tilespmem:s28+$0xC100]  }
0x177: {  	v2 =	vld [tilespmem:s28+$0xC110]  }
0x178: {  	v3 =	vld [tilespmem:s28+$0xC120]  }
0x179: {  	v4 =	vld [tilespmem:s28+$0xC130]  }
0x17a: {  	v5 =	vld [tilespmem:s28+$0xC140]  }
0x17b: {  	v6 =	vld [tilespmem:s28+$0xC150]  }
0x17c: {  	[tilespmem:s28+$0x8170] =	vst.add.f32.msk $0xffff, v0  }
0x17d: {  	v0 =	vld [tilespmem:s28+$0xC160]  }
0x17e: {  	[tilespmem:s28+$0x8100] =	vst.add.f32.msk $0xffff, v1  }
0x17f: {  	[tilespmem:s28+$0x8110] =	vst.add.f32.msk $0xffff, v2  }
0x180: {  	[tilespmem:s28+$0x8120] =	vst.add.f32.msk $0xffff, v3  }
0x181: {  	[tilespmem:s28+$0x8130] =	vst.add.f32.msk $0xffff, v4  }
0x182: {  	[tilespmem:s28+$0x8140] =	vst.add.f32.msk $0xffff, v5  }
0x183: {  	s29 =	simm.s32 $0x0;
	s30 =	simm.s32 $0x1000;
	[tilespmem:s28+$0x8150] =	vst.add.f32.msk $0xffff, v6  }
.LBB2_23:
0x184: {  	s29 =	sadd.s32 $0x80, s29;
	[tilespmem:s28+$0x8160] =	vst.add.f32.msk $0xffff, v0;
	s28 =	sshra.s32 s30, $0x2  }
0x185: {  	v0 =	vld [tilespmem:s28+$0xC170];
	p1 =	slt.u32 s29, $0x780  }
0x186: {  	v1 =	vld [tilespmem:s28+$0xC100]  }
0x187: {  	v2 =	vld [tilespmem:s28+$0xC110]  }
0x188: {  	v3 =	vld [tilespmem:s28+$0xC120]  }
0x189: {  	v4 =	vld [tilespmem:s28+$0xC130]  }
0x18a: {  	[tilespmem:s28+$0x8170] =	vst.add.f32.msk $0xffff, v0  }
0x18b: {  	v5 =	vld [tilespmem:s28+$0xC140]  }
0x18c: {  	v6 =	vld [tilespmem:s28+$0xC150]  }
0x18d: {  	v0 =	vld [tilespmem:s28+$0xC160]  }
0x18e: {  	[tilespmem:s28+$0x8100] =	vst.add.f32.msk $0xffff, v1  }
.Ltmp12:
0x18f: {  	[tilespmem:s28+$0x8110] =	vst.add.f32.msk $0xffff, v2;
	(pc) =	sbr.rel @p1 .LBB2_23-.Ltmp12, $4  }
0x190: {  	[tilespmem:s28+$0x8120] =	vst.add.f32.msk $0xffff, v3  }
0x191: {  	[tilespmem:s28+$0x8130] =	vst.add.f32.msk $0xffff, v4  }
0x192: {  	[tilespmem:s28+$0x8140] =	vst.add.f32.msk $0xffff, v5  }
0x193: {  	s30 =	sadd.s32 $0x1000, s30;
	[tilespmem:s28+$0x8150] =	vst.add.f32.msk $0xffff, v6  }
0x194: {  	[tilespmem:s28+$0x8160] =	vst.add.f32.msk $0xffff, v0;
	s28 =	simm.s32 $0x0  }
0x195: {  	v0 =	vld [tilespmem:s28+$0xC1F0]  }
0x196: {  	v1 =	vld [tilespmem:s28+$0xC180]  }
0x197: {  	v2 =	vld [tilespmem:s28+$0xC190]  }
0x198: {  	v3 =	vld [tilespmem:s28+$0xC1A0]  }
0x199: {  	v4 =	vld [tilespmem:s28+$0xC1B0]  }
0x19a: {  	v5 =	vld [tilespmem:s28+$0xC1C0]  }
0x19b: {  	v6 =	vld [tilespmem:s28+$0xC1D0]  }
0x19c: {  	[tilespmem:s28+$0x81F0] =	vst.add.f32.msk $0xffff, v0  }
0x19d: {  	v0 =	vld [tilespmem:s28+$0xC1E0]  }
0x19e: {  	[tilespmem:s28+$0x8180] =	vst.add.f32.msk $0xffff, v1  }
0x19f: {  	[tilespmem:s28+$0x8190] =	vst.add.f32.msk $0xffff, v2  }
0x1a0: {  	[tilespmem:s28+$0x81A0] =	vst.add.f32.msk $0xffff, v3  }
0x1a1: {  	[tilespmem:s28+$0x81B0] =	vst.add.f32.msk $0xffff, v4  }
0x1a2: {  	[tilespmem:s28+$0x81C0] =	vst.add.f32.msk $0xffff, v5  }
0x1a3: {  	s29 =	simm.s32 $0x0;
	s30 =	simm.s32 $0x1000;
	[tilespmem:s28+$0x81D0] =	vst.add.f32.msk $0xffff, v6  }
.LBB2_25:
0x1a4: {  	s29 =	sadd.s32 $0x80, s29;
	[tilespmem:s28+$0x81E0] =	vst.add.f32.msk $0xffff, v0;
	s28 =	sshra.s32 s30, $0x2  }
0x1a5: {  	v0 =	vld [tilespmem:s28+$0xC1F0];
	p1 =	slt.u32 s29, $0x780  }
0x1a6: {  	v1 =	vld [tilespmem:s28+$0xC180]  }
0x1a7: {  	v2 =	vld [tilespmem:s28+$0xC190]  }
0x1a8: {  	v3 =	vld [tilespmem:s28+$0xC1A0]  }
0x1a9: {  	v4 =	vld [tilespmem:s28+$0xC1B0]  }
0x1aa: {  	[tilespmem:s28+$0x81F0] =	vst.add.f32.msk $0xffff, v0  }
0x1ab: {  	v5 =	vld [tilespmem:s28+$0xC1C0]  }
0x1ac: {  	v6 =	vld [tilespmem:s28+$0xC1D0]  }
0x1ad: {  	v0 =	vld [tilespmem:s28+$0xC1E0]  }
0x1ae: {  	[tilespmem:s28+$0x8180] =	vst.add.f32.msk $0xffff, v1  }
.Ltmp13:
0x1af: {  	[tilespmem:s28+$0x8190] =	vst.add.f32.msk $0xffff, v2;
	(pc) =	sbr.rel @p1 .LBB2_25-.Ltmp13, $4  }
0x1b0: {  	[tilespmem:s28+$0x81A0] =	vst.add.f32.msk $0xffff, v3  }
0x1b1: {  	[tilespmem:s28+$0x81B0] =	vst.add.f32.msk $0xffff, v4  }
0x1b2: {  	[tilespmem:s28+$0x81C0] =	vst.add.f32.msk $0xffff, v5  }
0x1b3: {  	s30 =	sadd.s32 $0x1000, s30;
	[tilespmem:s28+$0x81D0] =	vst.add.f32.msk $0xffff, v6  }
0x1b4: {  	[tilespmem:s28+$0x81E0] =	vst.add.f32.msk $0xffff, v0;
	s28 =	simm.s32 $0x0  }
0x1b5: {  	v0 =	vld [tilespmem:s28+$0xC270]  }
0x1b6: {  	v1 =	vld [tilespmem:s28+$0xC200]  }
0x1b7: {  	v2 =	vld [tilespmem:s28+$0xC210]  }
0x1b8: {  	v3 =	vld [tilespmem:s28+$0xC220]  }
0x1b9: {  	v4 =	vld [tilespmem:s28+$0xC230]  }
0x1ba: {  	v5 =	vld [tilespmem:s28+$0xC240]  }
0x1bb: {  	v6 =	vld [tilespmem:s28+$0xC250]  }
0x1bc: {  	[tilespmem:s28+$0x8270] =	vst.add.f32.msk $0xffff, v0  }
0x1bd: {  	v0 =	vld [tilespmem:s28+$0xC260]  }
0x1be: {  	[tilespmem:s28+$0x8200] =	vst.add.f32.msk $0xffff, v1  }
0x1bf: {  	[tilespmem:s28+$0x8210] =	vst.add.f32.msk $0xffff, v2  }
0x1c0: {  	[tilespmem:s28+$0x8220] =	vst.add.f32.msk $0xffff, v3  }
0x1c1: {  	[tilespmem:s28+$0x8230] =	vst.add.f32.msk $0xffff, v4  }
0x1c2: {  	[tilespmem:s28+$0x8240] =	vst.add.f32.msk $0xffff, v5  }
0x1c3: {  	s29 =	simm.s32 $0x0;
	s30 =	simm.s32 $0x1000;
	[tilespmem:s28+$0x8250] =	vst.add.f32.msk $0xffff, v6  }
.LBB2_27:
0x1c4: {  	s29 =	sadd.s32 $0x80, s29;
	[tilespmem:s28+$0x8260] =	vst.add.f32.msk $0xffff, v0;
	s28 =	sshra.s32 s30, $0x2  }
0x1c5: {  	v0 =	vld [tilespmem:s28+$0xC270];
	p1 =	slt.u32 s29, $0x780  }
0x1c6: {  	v1 =	vld [tilespmem:s28+$0xC200]  }
0x1c7: {  	v2 =	vld [tilespmem:s28+$0xC210]  }
0x1c8: {  	v3 =	vld [tilespmem:s28+$0xC220]  }
0x1c9: {  	v4 =	vld [tilespmem:s28+$0xC230]  }
0x1ca: {  	[tilespmem:s28+$0x8270] =	vst.add.f32.msk $0xffff, v0  }
0x1cb: {  	v5 =	vld [tilespmem:s28+$0xC240]  }
0x1cc: {  	v6 =	vld [tilespmem:s28+$0xC250]  }
0x1cd: {  	v0 =	vld [tilespmem:s28+$0xC260]  }
0x1ce: {  	[tilespmem:s28+$0x8200] =	vst.add.f32.msk $0xffff, v1  }
.Ltmp14:
0x1cf: {  	[tilespmem:s28+$0x8210] =	vst.add.f32.msk $0xffff, v2;
	(pc) =	sbr.rel @p1 .LBB2_27-.Ltmp14, $4  }
0x1d0: {  	[tilespmem:s28+$0x8220] =	vst.add.f32.msk $0xffff, v3  }
0x1d1: {  	[tilespmem:s28+$0x8230] =	vst.add.f32.msk $0xffff, v4  }
0x1d2: {  	[tilespmem:s28+$0x8240] =	vst.add.f32.msk $0xffff, v5  }
0x1d3: {  	s30 =	sadd.s32 $0x1000, s30;
	[tilespmem:s28+$0x8250] =	vst.add.f32.msk $0xffff, v6  }
0x1d4: {  	[tilespmem:s28+$0x8260] =	vst.add.f32.msk $0xffff, v0;
	s28 =	simm.s32 $0x0  }
0x1d5: {  	v0 =	vld [tilespmem:s28+$0xC2F0]  }
0x1d6: {  	v1 =	vld [tilespmem:s28+$0xC280]  }
0x1d7: {  	v2 =	vld [tilespmem:s28+$0xC290]  }
0x1d8: {  	v3 =	vld [tilespmem:s28+$0xC2A0]  }
0x1d9: {  	v4 =	vld [tilespmem:s28+$0xC2B0]  }
0x1da: {  	v5 =	vld [tilespmem:s28+$0xC2C0]  }
0x1db: {  	v6 =	vld [tilespmem:s28+$0xC2D0]  }
0x1dc: {  	[tilespmem:s28+$0x82F0] =	vst.add.f32.msk $0xffff, v0  }
0x1dd: {  	v0 =	vld [tilespmem:s28+$0xC2E0]  }
0x1de: {  	[tilespmem:s28+$0x8280] =	vst.add.f32.msk $0xffff, v1  }
0x1df: {  	[tilespmem:s28+$0x8290] =	vst.add.f32.msk $0xffff, v2  }
0x1e0: {  	[tilespmem:s28+$0x82A0] =	vst.add.f32.msk $0xffff, v3  }
0x1e1: {  	[tilespmem:s28+$0x82B0] =	vst.add.f32.msk $0xffff, v4  }
0x1e2: {  	[tilespmem:s28+$0x82C0] =	vst.add.f32.msk $0xffff, v5  }
0x1e3: {  	s29 =	simm.s32 $0x0;
	s30 =	simm.s32 $0x1000;
	[tilespmem:s28+$0x82D0] =	vst.add.f32.msk $0xffff, v6  }
.LBB2_29:
0x1e4: {  	s29 =	sadd.s32 $0x80, s29;
	[tilespmem:s28+$0x82E0] =	vst.add.f32.msk $0xffff, v0;
	s28 =	sshra.s32 s30, $0x2  }
0x1e5: {  	v0 =	vld [tilespmem:s28+$0xC2F0];
	p1 =	slt.u32 s29, $0x780  }
0x1e6: {  	v1 =	vld [tilespmem:s28+$0xC280]  }
0x1e7: {  	v2 =	vld [tilespmem:s28+$0xC290]  }
0x1e8: {  	v3 =	vld [tilespmem:s28+$0xC2A0]  }
0x1e9: {  	v4 =	vld [tilespmem:s28+$0xC2B0]  }
0x1ea: {  	[tilespmem:s28+$0x82F0] =	vst.add.f32.msk $0xffff, v0  }
0x1eb: {  	v5 =	vld [tilespmem:s28+$0xC2C0]  }
0x1ec: {  	v6 =	vld [tilespmem:s28+$0xC2D0]  }
0x1ed: {  	v0 =	vld [tilespmem:s28+$0xC2E0]  }
0x1ee: {  	[tilespmem:s28+$0x8280] =	vst.add.f32.msk $0xffff, v1  }
.Ltmp15:
0x1ef: {  	[tilespmem:s28+$0x8290] =	vst.add.f32.msk $0xffff, v2;
	(pc) =	sbr.rel @p1 .LBB2_29-.Ltmp15, $4  }
0x1f0: {  	[tilespmem:s28+$0x82A0] =	vst.add.f32.msk $0xffff, v3  }
0x1f1: {  	[tilespmem:s28+$0x82B0] =	vst.add.f32.msk $0xffff, v4  }
0x1f2: {  	[tilespmem:s28+$0x82C0] =	vst.add.f32.msk $0xffff, v5  }
0x1f3: {  	s30 =	sadd.s32 $0x1000, s30;
	[tilespmem:s28+$0x82D0] =	vst.add.f32.msk $0xffff, v6  }
0x1f4: {  	[tilespmem:s28+$0x82E0] =	vst.add.f32.msk $0xffff, v0;
	s28 =	simm.s32 $0x0  }
0x1f5: {  	v0 =	vld [tilespmem:s28+$0xC370]  }
0x1f6: {  	v1 =	vld [tilespmem:s28+$0xC300]  }
0x1f7: {  	v2 =	vld [tilespmem:s28+$0xC310]  }
0x1f8: {  	v3 =	vld [tilespmem:s28+$0xC320]  }
0x1f9: {  	v4 =	vld [tilespmem:s28+$0xC330]  }
0x1fa: {  	v5 =	vld [tilespmem:s28+$0xC340]  }
0x1fb: {  	v6 =	vld [tilespmem:s28+$0xC350]  }
0x1fc: {  	[tilespmem:s28+$0x8370] =	vst.add.f32.msk $0xffff, v0  }
0x1fd: {  	v0 =	vld [tilespmem:s28+$0xC360]  }
0x1fe: {  	[tilespmem:s28+$0x8300] =	vst.add.f32.msk $0xffff, v1  }
0x1ff: {  	[tilespmem:s28+$0x8310] =	vst.add.f32.msk $0xffff, v2  }
0x200: {  	[tilespmem:s28+$0x8320] =	vst.add.f32.msk $0xffff, v3  }
0x201: {  	[tilespmem:s28+$0x8330] =	vst.add.f32.msk $0xffff, v4  }
0x202: {  	[tilespmem:s28+$0x8340] =	vst.add.f32.msk $0xffff, v5  }
0x203: {  	s29 =	simm.s32 $0x0;
	s30 =	simm.s32 $0x1000;
	[tilespmem:s28+$0x8350] =	vst.add.f32.msk $0xffff, v6  }
.LBB2_31:
0x204: {  	s29 =	sadd.s32 $0x80, s29;
	[tilespmem:s28+$0x8360] =	vst.add.f32.msk $0xffff, v0;
	s28 =	sshra.s32 s30, $0x2  }
0x205: {  	v0 =	vld [tilespmem:s28+$0xC370];
	p1 =	slt.u32 s29, $0x780  }
0x206: {  	v1 =	vld [tilespmem:s28+$0xC300]  }
0x207: {  	v2 =	vld [tilespmem:s28+$0xC310]  }
0x208: {  	v3 =	vld [tilespmem:s28+$0xC320]  }
0x209: {  	v4 =	vld [tilespmem:s28+$0xC330]  }
0x20a: {  	[tilespmem:s28+$0x8370] =	vst.add.f32.msk $0xffff, v0  }
0x20b: {  	v5 =	vld [tilespmem:s28+$0xC340]  }
0x20c: {  	v6 =	vld [tilespmem:s28+$0xC350]  }
0x20d: {  	v0 =	vld [tilespmem:s28+$0xC360]  }
0x20e: {  	[tilespmem:s28+$0x8300] =	vst.add.f32.msk $0xffff, v1  }
.Ltmp16:
0x20f: {  	[tilespmem:s28+$0x8310] =	vst.add.f32.msk $0xffff, v2;
	(pc) =	sbr.rel @p1 .LBB2_31-.Ltmp16, $4  }
0x210: {  	[tilespmem:s28+$0x8320] =	vst.add.f32.msk $0xffff, v3  }
0x211: {  	[tilespmem:s28+$0x8330] =	vst.add.f32.msk $0xffff, v4  }
0x212: {  	[tilespmem:s28+$0x8340] =	vst.add.f32.msk $0xffff, v5  }
0x213: {  	s30 =	sadd.s32 $0x1000, s30;
	[tilespmem:s28+$0x8350] =	vst.add.f32.msk $0xffff, v6  }
0x214: {  	[tilespmem:s28+$0x8360] =	vst.add.f32.msk $0xffff, v0;
	s28 =	simm.s32 $0x0  }
0x215: {  	v0 =	vld [tilespmem:s28+$0xC3F0]  }
0x216: {  	v1 =	vld [tilespmem:s28+$0xC380]  }
0x217: {  	v2 =	vld [tilespmem:s28+$0xC390]  }
0x218: {  	v3 =	vld [tilespmem:s28+$0xC3A0]  }
0x219: {  	v4 =	vld [tilespmem:s28+$0xC3B0]  }
0x21a: {  	v5 =	vld [tilespmem:s28+$0xC3C0]  }
0x21b: {  	v6 =	vld [tilespmem:s28+$0xC3D0]  }
0x21c: {  	[tilespmem:s28+$0x83F0] =	vst.add.f32.msk $0xffff, v0  }
0x21d: {  	v0 =	vld [tilespmem:s28+$0xC3E0]  }
0x21e: {  	[tilespmem:s28+$0x8380] =	vst.add.f32.msk $0xffff, v1  }
0x21f: {  	[tilespmem:s28+$0x8390] =	vst.add.f32.msk $0xffff, v2  }
0x220: {  	[tilespmem:s28+$0x83A0] =	vst.add.f32.msk $0xffff, v3  }
0x221: {  	[tilespmem:s28+$0x83B0] =	vst.add.f32.msk $0xffff, v4  }
0x222: {  	[tilespmem:s28+$0x83C0] =	vst.add.f32.msk $0xffff, v5  }
0x223: {  	s29 =	simm.s32 $0x0;
	s30 =	simm.s32 $0x1000;
	[tilespmem:s28+$0x83D0] =	vst.add.f32.msk $0xffff, v6  }
.LBB2_33:
0x224: {  	s29 =	sadd.s32 $0x80, s29;
	[tilespmem:s28+$0x83E0] =	vst.add.f32.msk $0xffff, v0;
	s28 =	sshra.s32 s30, $0x2  }
0x225: {  	v0 =	vld [tilespmem:s28+$0xC3F0];
	p1 =	slt.u32 s29, $0x780  }
0x226: {  	v1 =	vld [tilespmem:s28+$0xC380]  }
0x227: {  	v2 =	vld [tilespmem:s28+$0xC390]  }
0x228: {  	v3 =	vld [tilespmem:s28+$0xC3A0]  }
0x229: {  	v4 =	vld [tilespmem:s28+$0xC3B0]  }
0x22a: {  	[tilespmem:s28+$0x83F0] =	vst.add.f32.msk $0xffff, v0  }
0x22b: {  	v5 =	vld [tilespmem:s28+$0xC3C0]  }
0x22c: {  	v6 =	vld [tilespmem:s28+$0xC3D0]  }
0x22d: {  	v0 =	vld [tilespmem:s28+$0xC3E0]  }
0x22e: {  	[tilespmem:s28+$0x8380] =	vst.add.f32.msk $0xffff, v1  }
.Ltmp17:
0x22f: {  	[tilespmem:s28+$0x8390] =	vst.add.f32.msk $0xffff, v2;
	(pc) =	sbr.rel @p1 .LBB2_33-.Ltmp17, $4  }
0x230: {  	[tilespmem:s28+$0x83A0] =	vst.add.f32.msk $0xffff, v3  }
0x231: {  	[tilespmem:s28+$0x83B0] =	vst.add.f32.msk $0xffff, v4  }
0x232: {  	[tilespmem:s28+$0x83C0] =	vst.add.f32.msk $0xffff, v5  }
0x233: {  	s30 =	sadd.s32 $0x1000, s30;
	[tilespmem:s28+$0x83D0] =	vst.add.f32.msk $0xffff, v6  }
.Ltmp18:
0x234: {  	(pc) =	sbr.rel @p0 .LBB2_36-.Ltmp18, $4  }
0x235: {  	_ = 	snop  }
0x236: {  	s29 =	sshll.u32 s25, $0xC  }
0x237: {  	[tilespmem:s28+$0x83E0] =	vst.add.f32.msk $0xffff, v0;
	s31 =	sadd.s32 s14, s29  }
0x238: {  	[hbm4b:s31+s4] =	stream.linear.scatter [tilespmem:s16], [sflag:$0x6], $0x4000, $0x38;
	[tilespmem:$0x10000] =	vst v63  }
0x239: {  	_ =	swait.ge [sflag:s23], $0x4000;
	s26 =	sadd.s32 s26, s12  }
.Ltmp19:
0x23a: {  	[sflag:s23] =	ssyncset.done $0x0;
	s26 =	sshll.u32 s26, $0xB;
	(pc) =	sbr.rel .LBB2_2-.Ltmp19, $4  }
0x23b: {  	[sflag:s23] =	ssyncadd.s32 $0xFFFFC000;
	s28 =	sadd.s32 s1, s26  }
0x23c: {  	[tilespmem:s16], [sflag:$0x3] =	stream.linear.gather [hbm4b:s28+s4], $0x4000, $0x38;
	[tilespmem:$0x10000] =	vst v63  }
0x23d: {  	s25 =	sadd.s32 $0x1, s25;
	s26 =	sadd.s32 s3, s26  }
0x23e: {  	[tilespmem:s17], [sflag:$0x4] =	stream.linear.gather [hbm4b:s26+s4], $0x4000, $0x38;
	[tilespmem:$0x10000] =	vst v63  }
.LBB2_37:
0x23f: {  	_ =	sfence.sel $0x180000  }
0x240: {  	[bflag:$0x0] =	sbarrier.arrive $0xFFFF  }
0x241: {  	p0 =	sne.s32 s0, $0x0;
	_ =	strace $0x90000047  }
0x242: {  	s0 =	sadd.s32 @!p0 $0x100000, s2;
	[bflag:$0x2] =	sbarrier.arrive $0xFFFF  }
0x243: {  	[sflag:s0] =	ssyncadd.tile.s32 @!p0 $0x1;
	_ =	shalt  }
.Lfunc_end2:
_tile_overlayer_lowered:
.L_overlay_start_2:
0x244: {  	(tag) =	ssettag $0x2  }
0x245: {  	s0 =	rddreg [dreg:$0x0];
	s2 =	stileid.u32  }
0x246: {  	s1 =	rddreg [dreg:$0x1];
	p0 =	sne.s32 s2, $0x0  }
0x247: {  	s3 =	rddreg [dreg:$0x2];
	[bflag:$0x3] =	sbarrier.arrive $0xFFFF;
	s2 =	simm.s32 @!p0 $0x1C07  }
0x248: {  	[timem:s3], [sflag:s2] =	dma.local @!p0 [hbm:s0], s1  }
0x249: {  	s0 =	simm.s32 @!p0 $0x7  }
0x24a: {  	_ =	swait.ge @!p0 [sflag:s0], s1  }
0x24b: {  	s1 =	ssub.s32 @!p0 $0x0, s1;
	[sflag:s0] =	ssyncset.done @!p0 $0x0  }
0x24c: {  	[sflag:s0] =	ssyncadd.s32 @!p0 s1  }
0x24d: {  	[bflag:$0x3] =	sbarrier.arrive $0xFFFF  }
0x24e: {  	_ =	shalt  }

</sc_bundles>
